<compile_context>
chip_gen: v7x
topology: tpu7x:2x2x1
jax: 0.10.2.dev20260603
libtpu: 0.0.44.dev20260713+nightly
codegen_flags: <defaults>
</compile_context>

<pallas_src>
import functools

import jax
import jax.numpy as jnp
from jax import lax
from jax.experimental import pallas as pl
from jax.experimental.pallas import tpu as pltpu
from jax.experimental.pallas import tpu_sc as plsc

N = 10000
E = 320000
D = 128
H = 128
C = 64

NC = 2
NS = 16
NP = 10240
K = 128
CHUNKS = 80
EP = NC * NS * CHUNKS * K
ROWS_PER_TILE = NP // NS
PH = CHUNKS // 2
GS = 2
KG = K // GS


def _sc_edge_pass(table, src2, dst2, zeros_np):
    mesh = plsc.VectorSubcoreMesh(
        core_axis_name="c", subcore_axis_name="s", num_cores=NC, num_subcores=NS
    )

    @functools.partial(
        pl.kernel,
        out_type=jax.ShapeDtypeStruct((NC, NP, H), jnp.float32),
        mesh=mesh,
        scratch_types=[
            pltpu.VMEM((PH, K), jnp.int32),
            pltpu.VMEM((PH, K), jnp.int32),
            pltpu.VMEM((K, H), jnp.float32),
            pltpu.VMEM((K, H), jnp.float32),
            pltpu.VMEM_SHARED((NP, H), jnp.float32),
        ] + [pltpu.SemaphoreType.DMA] * (2 * GS + 2),
    )
    def k(table_hbm, src_hbm, dst_hbm, zeros_hbm, out_hbm,
          sidx, didx, r0b, r1b, acc, *sems):
        bufs = (r0b, r1b)
        gsems = (sems[:GS], sems[GS:2 * GS])
        ssems = sems[2 * GS:]
        c = lax.axis_index("c")
        s = lax.axis_index("s")

        row0 = s * ROWS_PER_TILE
        pltpu.sync_copy(zeros_hbm.at[pl.ds(row0, ROWS_PER_TILE)],
                        acc.at[pl.ds(row0, ROWS_PER_TILE)])

        crow = (c * NS + s) * CHUNKS

        def issue_g(jr, b):
            for m in range(GS):
                pltpu.async_copy(table_hbm.at[sidx.at[jr, pl.ds(m * KG, KG)]],
                                 bufs[b].at[pl.ds(m * KG, KG)], gsems[b][m])

        def wait_g(b):
            for m in range(GS):
                pltpu.make_async_copy(table_hbm.at[sidx.at[0, pl.ds(0, KG)]],
                                      bufs[b].at[pl.ds(m * KG, KG)],
                                      gsems[b][m]).wait()

        def issue_s(jr, b):
            pltpu.async_copy(bufs[b], acc.at[didx.at[jr]], ssems[b], add=True)

        def wait_s(b):
            pltpu.make_async_copy(bufs[b], acc.at[didx.at[0]],
                                  ssems[b]).wait()

        def sub(jr, b):
            if jr + 1 <= PH - 1:
                if jr >= 1:
                    wait_s(1 - b)
                issue_g(jr + 1, 1 - b)
            wait_g(b)
            issue_s(jr, b)

        def stage(p):
            pltpu.sync_copy(src_hbm.at[pl.ds(crow + p * PH, PH)], sidx)
            pltpu.sync_copy(dst_hbm.at[pl.ds(crow + p * PH, PH)], didx)

        def run_phase():
            issue_g(0, 0)
            sub(0, 0)

            def body(t):
                jr = 2 * t + 1
                wait_s(0)
                issue_g(jr + 1, 0)
                wait_g(1)
                issue_s(jr, 1)
                wait_s(1)
                issue_g(jr + 2, 1)
                wait_g(0)
                issue_s(jr + 1, 0)

            pl.loop(0, (PH - 2) // 2)(body)
            sub(PH - 1, (PH - 1) % 2)
            wait_s(0)
            wait_s(1)

        stage(0)
        plsc.subcore_barrier()
        run_phase()
        stage(1)
        run_phase()

        plsc.subcore_barrier()
        pltpu.sync_copy(acc.at[pl.ds(row0, ROWS_PER_TILE)],
                        out_hbm.at[c, pl.ds(row0, ROWS_PER_TILE)])

    return k(table, src2, dst2, zeros_np)


def _dense_relu(x, w_t, b):
    def body(x_ref, w_ref, b_ref, o_ref):
        acc = jnp.dot(x_ref[...], w_ref[...], preferred_element_type=jnp.float32)
        o_ref[...] = jnp.maximum(acc + b_ref[...], 0.0)

    return pl.pallas_call(
        body,
        out_shape=jax.ShapeDtypeStruct((x.shape[0], w_t.shape[1]), jnp.float32),
    )(x, w_t, b.reshape(1, -1))


def _dense_sum2(a, b, w_t):
    def body(a_ref, b_ref, w_ref, o_ref):
        o_ref[...] = jnp.dot(a_ref[...] + b_ref[...], w_ref[...],
                             preferred_element_type=jnp.float32)

    return pl.pallas_call(
        body,
        out_shape=jax.ShapeDtypeStruct((a.shape[0], w_t.shape[1]), jnp.float32),
    )(a, b, w_t)


def _dense_softmax(a, b, w_t, bias):
    def body(a_ref, b_ref, w_ref, bias_ref, o_ref):
        z = jnp.dot(a_ref[...] + b_ref[...], w_ref[...],
                    preferred_element_type=jnp.float32) + bias_ref[...]
        m = jnp.max(z, axis=1, keepdims=True)
        e = jnp.exp(z - m)
        o_ref[...] = e / jnp.sum(e, axis=1, keepdims=True)

    return pl.pallas_call(
        body,
        out_shape=jax.ShapeDtypeStruct((a.shape[0], w_t.shape[1]), jnp.float32),
    )(a, b, w_t, bias.reshape(1, -1))


def kernel(node_features, edge_index, W1, b1, W2, b2, Wf, bf):
    del b2

    xp = jnp.pad(node_features, ((0, NP - N), (0, 0)))
    pad = EP - E
    padv = jnp.full((pad,), N, dtype=jnp.int32)
    srcp = jnp.concatenate([edge_index[0], padv]).reshape(EP // K, K)
    dstp = jnp.concatenate([edge_index[1], padv]).reshape(EP // K, K)
    zeros_np = jnp.zeros((NP, H), dtype=jnp.float32)

    h1 = _dense_relu(xp, W1.T, b1)
    s1 = _sc_edge_pass(h1, srcp, dstp, zeros_np)
    g2 = _dense_sum2(s1[0], s1[1], W2.T)
    s2 = _sc_edge_pass(g2, srcp, dstp, zeros_np)
    out = _dense_softmax(s2[0], s2[1], Wf.T, bf)
    return out[:N]

# --- scband reference (transcript-rebuilt; emitter-appended) ---
"""Pipeline reference for scband-comm-aware-gcn-5858335392390 (READ-ONLY COPY).

The authoritative reference and input builder live on the scoring server;
editing this copy changes nothing except your own understanding.
"""

import jax, jax.numpy as jnp
import numpy as np

N = 10000
E = 320000
D = 128
H = 128
C = 64


def setup_inputs(seed: int = 0) -> dict:
    key = jax.random.key(seed)
    ks = jax.random.split(key, 8)
    node_features = jax.random.normal(ks[0], (N, D), dtype=jnp.float32)
    edge_index = jax.random.randint(ks[1], (2, E), 0, N, dtype=jnp.int32)
    # Learned parameters (nn.Linear layout: W[out,in], b[out])
    W1 = jax.random.normal(ks[2], (H, D), dtype=jnp.float32) * (1.0 / np.sqrt(D))
    b1 = jnp.zeros((H,), dtype=jnp.float32)
    W2 = jax.random.normal(ks[3], (H, H), dtype=jnp.float32) * (1.0 / np.sqrt(H))
    b2 = jnp.zeros((H,), dtype=jnp.float32)
    Wf = jax.random.normal(ks[4], (C, H), dtype=jnp.float32) * (1.0 / np.sqrt(H))
    bf = jnp.zeros((C,), dtype=jnp.float32)
    return {"node_features": node_features, "edge_index": edge_index,
            "W1": W1, "b1": b1, "W2": W2, "b2": b2, "Wf": Wf, "bf": bf}


def reference(node_features, edge_index, W1, b1, W2, b2, Wf, bf):
    # comm.gather(x, idx) -> row gather x[idx]
    # comm.scatter(x, idx) -> scatter-add into per-node buffer
    src = edge_index[0]
    dst = edge_index[1]
    n = node_features.shape[0]
    # x = comm.gather(node_features, edge_index[0])
    x = jnp.take(node_features, src, axis=0)
    # x = conv1(x) : Linear + ReLU
    x = jax.nn.relu(x @ W1.T + b1)
    # x = comm.scatter(x, edge_index[1])
    x = jnp.zeros((n, W1.shape[0]), dtype=x.dtype).at[dst].add(x)
    # x = comm.gather(x, edge_index[0])
    x = jnp.take(x, src, axis=0)
    # x = conv2(x)
    x = x @ W2.T + b2
    # x = comm.scatter(x, edge_index[1])
    x = jnp.zeros((n, W2.shape[0]), dtype=x.dtype).at[dst].add(x)
    # x = fc(x); softmax(dim=1)
    x = x @ Wf.T + bf
    return jax.nn.softmax(x, axis=1)

if __name__ == "__main__":
    import jax
    _d = setup_inputs()
    print(jax.jit(kernel)(*tuple(_d.values())))

</pallas_src>

<mosaic_0001>
#map = affine_map<(d0, d1) -> (0, 0)>
#map1 = affine_map<(d0, d1) -> (0, 0, 0)>
module attributes {stable_mosaic.version = 14 : i64} {
  func.func @k(%arg0: i32, %arg1: i32, %arg2: memref<10240x128xf32, #tpu.memory_space<hbm>>, %arg3: memref<2560x128xi32, #tpu.memory_space<hbm>>, %arg4: memref<2560x128xi32, #tpu.memory_space<hbm>>, %arg5: memref<10240x128xf32, #tpu.memory_space<hbm>>, %arg6: memref<2x10240x128xf32, #tpu.memory_space<hbm>>, %arg7: memref<40x128xi32, #tpu.memory_space<vmem>>, %arg8: memref<40x128xi32, #tpu.memory_space<vmem>>, %arg9: memref<128x128xf32, #tpu.memory_space<vmem>>, %arg10: memref<128x128xf32, #tpu.memory_space<vmem>>, %arg11: memref<10240x128xf32, #tpu.memory_space<vmem_shared>>, %arg12: memref<!tpu.dma_semaphore, #tpu.memory_space<semaphore_mem>>, %arg13: memref<!tpu.dma_semaphore, #tpu.memory_space<semaphore_mem>>, %arg14: memref<!tpu.dma_semaphore, #tpu.memory_space<semaphore_mem>>, %arg15: memref<!tpu.dma_semaphore, #tpu.memory_space<semaphore_mem>>, %arg16: memref<!tpu.dma_semaphore, #tpu.memory_space<semaphore_mem>>, %arg17: memref<!tpu.dma_semaphore, #tpu.memory_space<semaphore_mem>>) attributes {dimension_semantics = [#tpu.dimension_semantics<core_parallel>, #tpu.dimension_semantics<subcore_parallel>], iteration_bounds = array<i64: 2, 16>, scalar_prefetch = 0 : i64, scratch_operands = 11 : i64, tpu.core_type = #tpu.core_type<sc_vector_subcore>, window_params = [{transform_indices = #map}, {transform_indices = #map}, {transform_indices = #map}, {transform_indices = #map}, {transform_indices = #map1}]} {
    %mul3A = arith.constant 640 : i32
    %mul3A_0 = arith.muli %arg1, %mul3A : i32
    "tpu.region"() ({
      %run_scoped3A = tpu.sem_alloc : memref<!tpu.dma_semaphore, #tpu.memory_space<semaphore_mem>>
      %dma_start3A_237 = arith.constant 0 : i32
      %dma_start3A_238 = tpu.memref_slice %arg11[%mul3A_0, %dma_start3A_237] : memref<10240x128xf32, #tpu.memory_space<vmem_shared>> -> memref<640x128xf32, #tpu.memory_space<vmem_shared>>
      %dma_start3A_239 = arith.constant 0 : i32
      %dma_start3A_240 = tpu.memref_slice %arg5[%mul3A_0, %dma_start3A_239] : memref<10240x128xf32, #tpu.memory_space<hbm>> -> memref<640x128xf32, #tpu.memory_space<hbm>>
      tpu.enqueue_dma source(%dma_start3A_240 : memref<640x128xf32, #tpu.memory_space<hbm>>) target(%dma_start3A_238 : memref<640x128xf32, #tpu.memory_space<vmem_shared>>) target_semaphore(%run_scoped3A : memref<!tpu.dma_semaphore, #tpu.memory_space<semaphore_mem>>)
      %dma_wait3A_241 = arith.constant 0 : i32
      %dma_wait3A_242 = tpu.memref_slice %arg11[%mul3A_0, %dma_wait3A_241] : memref<10240x128xf32, #tpu.memory_space<vmem_shared>> -> memref<640x128xf32, #tpu.memory_space<vmem_shared>>
      %dma_wait3A_243 = arith.constant 0 : i32
      %dma_wait3A_244 = tpu.memref_slice %arg5[%mul3A_0, %dma_wait3A_243] : memref<10240x128xf32, #tpu.memory_space<hbm>> -> memref<640x128xf32, #tpu.memory_space<hbm>>
      tpu.wait_dma2 semaphore(%run_scoped3A : memref<!tpu.dma_semaphore, #tpu.memory_space<semaphore_mem>>) src(%dma_wait3A_244 : memref<640x128xf32, #tpu.memory_space<hbm>>) dst(%dma_wait3A_242 : memref<640x128xf32, #tpu.memory_space<vmem_shared>>)
      tpu.yield
    }) : () -> ()
    %mul3A_1 = arith.constant 16 : i32
    %mul3A_2 = arith.muli %arg0, %mul3A_1 : i32
    %add3A = arith.addi %mul3A_2, %arg1 : i32
    %mul3A_3 = arith.constant 80 : i32
    %mul3A_4 = arith.muli %add3A, %mul3A_3 : i32
    %add3A_5 = arith.constant 0 : i32
    %add3A_6 = arith.addi %mul3A_4, %add3A_5 : i32
    "tpu.region"() ({
      %run_scoped3A = tpu.sem_alloc : memref<!tpu.dma_semaphore, #tpu.memory_space<semaphore_mem>>
      %dma_start3A_237 = arith.constant 0 : i32
      %dma_start3A_238 = tpu.memref_slice %arg3[%add3A_6, %dma_start3A_237] : memref<2560x128xi32, #tpu.memory_space<hbm>> -> memref<40x128xi32, #tpu.memory_space<hbm>>
      %dma_start3A_239 = arith.constant 0 : i32
      %dma_start3A_240 = tpu.memref_slice %arg3[%add3A_6, %dma_start3A_239] : memref<2560x128xi32, #tpu.memory_space<hbm>> -> memref<40x128xi32, #tpu.memory_space<hbm>>
      tpu.enqueue_dma source(%dma_start3A_240 : memref<40x128xi32, #tpu.memory_space<hbm>>) target(%arg7 : memref<40x128xi32, #tpu.memory_space<vmem>>) target_semaphore(%run_scoped3A : memref<!tpu.dma_semaphore, #tpu.memory_space<semaphore_mem>>)
      %dma_wait3A_241 = arith.constant 0 : i32
      %dma_wait3A_242 = tpu.memref_slice %arg3[%add3A_6, %dma_wait3A_241] : memref<2560x128xi32, #tpu.memory_space<hbm>> -> memref<40x128xi32, #tpu.memory_space<hbm>>
      %dma_wait3A_243 = arith.constant 0 : i32
      %dma_wait3A_244 = tpu.memref_slice %arg3[%add3A_6, %dma_wait3A_243] : memref<2560x128xi32, #tpu.memory_space<hbm>> -> memref<40x128xi32, #tpu.memory_space<hbm>>
      tpu.wait_dma2 semaphore(%run_scoped3A : memref<!tpu.dma_semaphore, #tpu.memory_space<semaphore_mem>>) src(%dma_wait3A_244 : memref<40x128xi32, #tpu.memory_space<hbm>>) dst(%arg7 : memref<40x128xi32, #tpu.memory_space<vmem>>)
      tpu.yield
    }) : () -> ()
    %add3A_7 = arith.constant 0 : i32
    %add3A_8 = arith.addi %mul3A_4, %add3A_7 : i32
    "tpu.region"() ({
      %run_scoped3A = tpu.sem_alloc : memref<!tpu.dma_semaphore, #tpu.memory_space<semaphore_mem>>
      %dma_start3A_237 = arith.constant 0 : i32
      %dma_start3A_238 = tpu.memref_slice %arg4[%add3A_8, %dma_start3A_237] : memref<2560x128xi32, #tpu.memory_space<hbm>> -> memref<40x128xi32, #tpu.memory_space<hbm>>
      %dma_start3A_239 = arith.constant 0 : i32
      %dma_start3A_240 = tpu.memref_slice %arg4[%add3A_8, %dma_start3A_239] : memref<2560x128xi32, #tpu.memory_space<hbm>> -> memref<40x128xi32, #tpu.memory_space<hbm>>
      tpu.enqueue_dma source(%dma_start3A_240 : memref<40x128xi32, #tpu.memory_space<hbm>>) target(%arg8 : memref<40x128xi32, #tpu.memory_space<vmem>>) target_semaphore(%run_scoped3A : memref<!tpu.dma_semaphore, #tpu.memory_space<semaphore_mem>>)
      %dma_wait3A_241 = arith.constant 0 : i32
      %dma_wait3A_242 = tpu.memref_slice %arg4[%add3A_8, %dma_wait3A_241] : memref<2560x128xi32, #tpu.memory_space<hbm>> -> memref<40x128xi32, #tpu.memory_space<hbm>>
      %dma_wait3A_243 = arith.constant 0 : i32
      %dma_wait3A_244 = tpu.memref_slice %arg4[%add3A_8, %dma_wait3A_243] : memref<2560x128xi32, #tpu.memory_space<hbm>> -> memref<40x128xi32, #tpu.memory_space<hbm>>
      tpu.wait_dma2 semaphore(%run_scoped3A : memref<!tpu.dma_semaphore, #tpu.memory_space<semaphore_mem>>) src(%dma_wait3A_244 : memref<40x128xi32, #tpu.memory_space<hbm>>) dst(%arg8 : memref<40x128xi32, #tpu.memory_space<vmem>>)
      tpu.yield
    }) : () -> ()
    %barrier3A = arith.constant 0 : index
    tpu.barrier barrier_id(%barrier3A)
    %dma_start3A = arith.constant 0 : i32
    %dma_start3A_9 = arith.constant 0 : i32
    %dma_start3A_10 = arith.constant 0 : i32
    %dma_start3A_11 = tpu.memref_slice %arg9[%dma_start3A_9, %dma_start3A_10] : memref<128x128xf32, #tpu.memory_space<vmem>> -> memref<64x128xf32, #tpu.memory_space<vmem>>
    %dma_start3A_12 = arith.constant 0 : i32
    %dma_start3A_13 = tpu.memref_slice %arg7[%dma_start3A, %dma_start3A_12] : memref<40x128xi32, #tpu.memory_space<vmem>> -> memref<1x64xi32, #tpu.memory_space<vmem>>
    %dma_start3A_14 = tpu.memref_squeeze %dma_start3A_13 : memref<1x64xi32, #tpu.memory_space<vmem>> -> memref<64xi32, #tpu.memory_space<vmem>>
    %dma_start3A_15 = arith.constant 0 : i32
    %dma_start3A_16 = arith.constant 0 : i32
    %dma_start3A_17 = tpu.memref_slice %arg2[%dma_start3A_15, %dma_start3A_16] : memref<10240x128xf32, #tpu.memory_space<hbm>> -> memref<10240x128xf32, #tpu.memory_space<hbm>>
    tpu.enqueue_indirect_dma source(%dma_start3A_17 : memref<10240x128xf32, #tpu.memory_space<hbm>>) target(%dma_start3A_11 : memref<64x128xf32, #tpu.memory_space<vmem>>) offsets(%dma_start3A_14 : memref<64xi32, #tpu.memory_space<vmem>>) semaphore(%arg12 : memref<!tpu.dma_semaphore, #tpu.memory_space<semaphore_mem>>)
    %dma_start3A_18 = arith.constant 0 : i32
    %dma_start3A_19 = arith.constant 64 : i32
    %dma_start3A_20 = arith.constant 0 : i32
    %dma_start3A_21 = tpu.memref_slice %arg9[%dma_start3A_19, %dma_start3A_20] : memref<128x128xf32, #tpu.memory_space<vmem>> -> memref<64x128xf32, #tpu.memory_space<vmem>>
    %dma_start3A_22 = arith.constant 64 : i32
    %dma_start3A_23 = tpu.memref_slice %arg7[%dma_start3A_18, %dma_start3A_22] : memref<40x128xi32, #tpu.memory_space<vmem>> -> memref<1x64xi32, #tpu.memory_space<vmem>>
    %dma_start3A_24 = tpu.memref_squeeze %dma_start3A_23 : memref<1x64xi32, #tpu.memory_space<vmem>> -> memref<64xi32, #tpu.memory_space<vmem>>
    %dma_start3A_25 = arith.constant 0 : i32
    %dma_start3A_26 = arith.constant 0 : i32
    %dma_start3A_27 = tpu.memref_slice %arg2[%dma_start3A_25, %dma_start3A_26] : memref<10240x128xf32, #tpu.memory_space<hbm>> -> memref<10240x128xf32, #tpu.memory_space<hbm>>
    tpu.enqueue_indirect_dma source(%dma_start3A_27 : memref<10240x128xf32, #tpu.memory_space<hbm>>) target(%dma_start3A_21 : memref<64x128xf32, #tpu.memory_space<vmem>>) offsets(%dma_start3A_24 : memref<64xi32, #tpu.memory_space<vmem>>) semaphore(%arg13 : memref<!tpu.dma_semaphore, #tpu.memory_space<semaphore_mem>>)
    %dma_start3A_28 = arith.constant 1 : i32
    %dma_start3A_29 = arith.constant 0 : i32
    %dma_start3A_30 = arith.constant 0 : i32
    %dma_start3A_31 = tpu.memref_slice %arg10[%dma_start3A_29, %dma_start3A_30] : memref<128x128xf32, #tpu.memory_space<vmem>> -> memref<64x128xf32, #tpu.memory_space<vmem>>
    %dma_start3A_32 = arith.constant 0 : i32
    %dma_start3A_33 = tpu.memref_slice %arg7[%dma_start3A_28, %dma_start3A_32] : memref<40x128xi32, #tpu.memory_space<vmem>> -> memref<1x64xi32, #tpu.memory_space<vmem>>
    %dma_start3A_34 = tpu.memref_squeeze %dma_start3A_33 : memref<1x64xi32, #tpu.memory_space<vmem>> -> memref<64xi32, #tpu.memory_space<vmem>>
    %dma_start3A_35 = arith.constant 0 : i32
    %dma_start3A_36 = arith.constant 0 : i32
    %dma_start3A_37 = tpu.memref_slice %arg2[%dma_start3A_35, %dma_start3A_36] : memref<10240x128xf32, #tpu.memory_space<hbm>> -> memref<10240x128xf32, #tpu.memory_space<hbm>>
    tpu.enqueue_indirect_dma source(%dma_start3A_37 : memref<10240x128xf32, #tpu.memory_space<hbm>>) target(%dma_start3A_31 : memref<64x128xf32, #tpu.memory_space<vmem>>) offsets(%dma_start3A_34 : memref<64xi32, #tpu.memory_space<vmem>>) semaphore(%arg14 : memref<!tpu.dma_semaphore, #tpu.memory_space<semaphore_mem>>)
    %dma_start3A_38 = arith.constant 1 : i32
    %dma_start3A_39 = arith.constant 64 : i32
    %dma_start3A_40 = arith.constant 0 : i32
    %dma_start3A_41 = tpu.memref_slice %arg10[%dma_start3A_39, %dma_start3A_40] : memref<128x128xf32, #tpu.memory_space<vmem>> -> memref<64x128xf32, #tpu.memory_space<vmem>>
    %dma_start3A_42 = arith.constant 64 : i32
    %dma_start3A_43 = tpu.memref_slice %arg7[%dma_start3A_38, %dma_start3A_42] : memref<40x128xi32, #tpu.memory_space<vmem>> -> memref<1x64xi32, #tpu.memory_space<vmem>>
    %dma_start3A_44 = tpu.memref_squeeze %dma_start3A_43 : memref<1x64xi32, #tpu.memory_space<vmem>> -> memref<64xi32, #tpu.memory_space<vmem>>
    %dma_start3A_45 = arith.constant 0 : i32
    %dma_start3A_46 = arith.constant 0 : i32
    %dma_start3A_47 = tpu.memref_slice %arg2[%dma_start3A_45, %dma_start3A_46] : memref<10240x128xf32, #tpu.memory_space<hbm>> -> memref<10240x128xf32, #tpu.memory_space<hbm>>
    tpu.enqueue_indirect_dma source(%dma_start3A_47 : memref<10240x128xf32, #tpu.memory_space<hbm>>) target(%dma_start3A_41 : memref<64x128xf32, #tpu.memory_space<vmem>>) offsets(%dma_start3A_44 : memref<64xi32, #tpu.memory_space<vmem>>) semaphore(%arg15 : memref<!tpu.dma_semaphore, #tpu.memory_space<semaphore_mem>>)
    %dma_wait3A = arith.constant 0 : i32
    %dma_wait3A_48 = arith.constant 0 : i32
    %dma_wait3A_49 = arith.constant 0 : i32
    %dma_wait3A_50 = tpu.memref_slice %arg9[%dma_wait3A_48, %dma_wait3A_49] : memref<128x128xf32, #tpu.memory_space<vmem>> -> memref<64x128xf32, #tpu.memory_space<vmem>>
    %dma_wait3A_51 = arith.constant 0 : i32
    %dma_wait3A_52 = tpu.memref_slice %arg7[%dma_wait3A, %dma_wait3A_51] : memref<40x128xi32, #tpu.memory_space<vmem>> -> memref<1x64xi32, #tpu.memory_space<vmem>>
    %dma_wait3A_53 = tpu.memref_squeeze %dma_wait3A_52 : memref<1x64xi32, #tpu.memory_space<vmem>> -> memref<64xi32, #tpu.memory_space<vmem>>
    %dma_wait3A_54 = arith.constant 0 : i32
    %dma_wait3A_55 = arith.constant 0 : i32
    %dma_wait3A_56 = tpu.memref_slice %arg2[%dma_wait3A_54, %dma_wait3A_55] : memref<10240x128xf32, #tpu.memory_space<hbm>> -> memref<10240x128xf32, #tpu.memory_space<hbm>>
    tpu.wait_indirect_dma semaphore(%arg12 : memref<!tpu.dma_semaphore, #tpu.memory_space<semaphore_mem>>) src(%dma_wait3A_56 : memref<10240x128xf32, #tpu.memory_space<hbm>>) dst(%dma_wait3A_50 : memref<64x128xf32, #tpu.memory_space<vmem>>)
    %dma_wait3A_57 = arith.constant 0 : i32
    %dma_wait3A_58 = arith.constant 64 : i32
    %dma_wait3A_59 = arith.constant 0 : i32
    %dma_wait3A_60 = tpu.memref_slice %arg9[%dma_wait3A_58, %dma_wait3A_59] : memref<128x128xf32, #tpu.memory_space<vmem>> -> memref<64x128xf32, #tpu.memory_space<vmem>>
    %dma_wait3A_61 = arith.constant 0 : i32
    %dma_wait3A_62 = tpu.memref_slice %arg7[%dma_wait3A_57, %dma_wait3A_61] : memref<40x128xi32, #tpu.memory_space<vmem>> -> memref<1x64xi32, #tpu.memory_space<vmem>>
    %dma_wait3A_63 = tpu.memref_squeeze %dma_wait3A_62 : memref<1x64xi32, #tpu.memory_space<vmem>> -> memref<64xi32, #tpu.memory_space<vmem>>
    %dma_wait3A_64 = arith.constant 0 : i32
    %dma_wait3A_65 = arith.constant 0 : i32
    %dma_wait3A_66 = tpu.memref_slice %arg2[%dma_wait3A_64, %dma_wait3A_65] : memref<10240x128xf32, #tpu.memory_space<hbm>> -> memref<10240x128xf32, #tpu.memory_space<hbm>>
    tpu.wait_indirect_dma semaphore(%arg13 : memref<!tpu.dma_semaphore, #tpu.memory_space<semaphore_mem>>) src(%dma_wait3A_66 : memref<10240x128xf32, #tpu.memory_space<hbm>>) dst(%dma_wait3A_60 : memref<64x128xf32, #tpu.memory_space<vmem>>)
    %dma_start3A_67 = arith.constant 0 : i32
    %dma_start3A_68 = arith.constant 0 : i32
    %dma_start3A_69 = tpu.memref_slice %arg8[%dma_start3A_67, %dma_start3A_68] : memref<40x128xi32, #tpu.memory_space<vmem>> -> memref<1x128xi32, #tpu.memory_space<vmem>>
    %dma_start3A_70 = tpu.memref_squeeze %dma_start3A_69 : memref<1x128xi32, #tpu.memory_space<vmem>> -> memref<128xi32, #tpu.memory_space<vmem>>
    %dma_start3A_71 = arith.constant 0 : i32
    %dma_start3A_72 = arith.constant 0 : i32
    %dma_start3A_73 = tpu.memref_slice %arg11[%dma_start3A_71, %dma_start3A_72] : memref<10240x128xf32, #tpu.memory_space<vmem_shared>> -> memref<10240x128xf32, #tpu.memory_space<vmem_shared>>
    tpu.enqueue_indirect_dma source(%arg9 : memref<128x128xf32, #tpu.memory_space<vmem>>) target(%dma_start3A_73 : memref<10240x128xf32, #tpu.memory_space<vmem_shared>>) offsets(%dma_start3A_70 : memref<128xi32, #tpu.memory_space<vmem>>) semaphore(%arg16 : memref<!tpu.dma_semaphore, #tpu.memory_space<semaphore_mem>>) {add = true}
    %scan3A = arith.constant 0 : i32
    %scan3A_74 = arith.constant 19 : i32
    %scan3A_75 = arith.addi %scan3A, %scan3A_74 : i32
    %scan3A_76 = arith.constant 1 : i32
    scf.for %scan3A_237 = %scan3A to %scan3A_75 step %scan3A_76  : i32 {
      %mul3A_238 = arith.constant 1 : i32
      %mul3A_239 = arith.muli %scan3A_237, %mul3A_238 : i32
      %add3A_240 = arith.constant 0 : i32
      %add3A_241 = arith.addi %add3A_240, %mul3A_239 : i32
      %mul3A_242 = arith.constant 2 : i32
      %mul3A_243 = arith.muli %mul3A_242, %add3A_241 : i32
      %add3A_244 = arith.constant 1 : i32
      %add3A_245 = arith.addi %mul3A_243, %add3A_244 : i32
      %dma_wait3A_246 = arith.constant 0 : i32
      %dma_wait3A_247 = arith.constant 0 : i32
      %dma_wait3A_248 = tpu.memref_slice %arg8[%dma_wait3A_246, %dma_wait3A_247] : memref<40x128xi32, #tpu.memory_space<vmem>> -> memref<1x128xi32, #tpu.memory_space<vmem>>
      %dma_wait3A_249 = tpu.memref_squeeze %dma_wait3A_248 : memref<1x128xi32, #tpu.memory_space<vmem>> -> memref<128xi32, #tpu.memory_space<vmem>>
      %dma_wait3A_250 = arith.constant 0 : i32
      %dma_wait3A_251 = arith.constant 0 : i32
      %dma_wait3A_252 = tpu.memref_slice %arg11[%dma_wait3A_250, %dma_wait3A_251] : memref<10240x128xf32, #tpu.memory_space<vmem_shared>> -> memref<10240x128xf32, #tpu.memory_space<vmem_shared>>
      tpu.wait_indirect_dma semaphore(%arg16 : memref<!tpu.dma_semaphore, #tpu.memory_space<semaphore_mem>>) src(%arg9 : memref<128x128xf32, #tpu.memory_space<vmem>>) dst(%dma_wait3A_252 : memref<10240x128xf32, #tpu.memory_space<vmem_shared>>)
      %add3A_253 = arith.constant 1 : i32
      %add3A_254 = arith.addi %add3A_245, %add3A_253 : i32
      %dma_start3A_255 = arith.constant 0 : i32
      %dma_start3A_256 = arith.constant 0 : i32
      %dma_start3A_257 = tpu.memref_slice %arg9[%dma_start3A_255, %dma_start3A_256] : memref<128x128xf32, #tpu.memory_space<vmem>> -> memref<64x128xf32, #tpu.memory_space<vmem>>
      %dma_start3A_258 = arith.constant 0 : i32
      %dma_start3A_259 = tpu.memref_slice %arg7[%add3A_254, %dma_start3A_258] : memref<40x128xi32, #tpu.memory_space<vmem>> -> memref<1x64xi32, #tpu.memory_space<vmem>>
      %dma_start3A_260 = tpu.memref_squeeze %dma_start3A_259 : memref<1x64xi32, #tpu.memory_space<vmem>> -> memref<64xi32, #tpu.memory_space<vmem>>
      %dma_start3A_261 = arith.constant 0 : i32
      %dma_start3A_262 = arith.constant 0 : i32
      %dma_start3A_263 = tpu.memref_slice %arg2[%dma_start3A_261, %dma_start3A_262] : memref<10240x128xf32, #tpu.memory_space<hbm>> -> memref<10240x128xf32, #tpu.memory_space<hbm>>
      tpu.enqueue_indirect_dma source(%dma_start3A_263 : memref<10240x128xf32, #tpu.memory_space<hbm>>) target(%dma_start3A_257 : memref<64x128xf32, #tpu.memory_space<vmem>>) offsets(%dma_start3A_260 : memref<64xi32, #tpu.memory_space<vmem>>) semaphore(%arg12 : memref<!tpu.dma_semaphore, #tpu.memory_space<semaphore_mem>>)
      %dma_start3A_264 = arith.constant 64 : i32
      %dma_start3A_265 = arith.constant 0 : i32
      %dma_start3A_266 = tpu.memref_slice %arg9[%dma_start3A_264, %dma_start3A_265] : memref<128x128xf32, #tpu.memory_space<vmem>> -> memref<64x128xf32, #tpu.memory_space<vmem>>
      %dma_start3A_267 = arith.constant 64 : i32
      %dma_start3A_268 = tpu.memref_slice %arg7[%add3A_254, %dma_start3A_267] : memref<40x128xi32, #tpu.memory_space<vmem>> -> memref<1x64xi32, #tpu.memory_space<vmem>>
      %dma_start3A_269 = tpu.memref_squeeze %dma_start3A_268 : memref<1x64xi32, #tpu.memory_space<vmem>> -> memref<64xi32, #tpu.memory_space<vmem>>
      %dma_start3A_270 = arith.constant 0 : i32
      %dma_start3A_271 = arith.constant 0 : i32
      %dma_start3A_272 = tpu.memref_slice %arg2[%dma_start3A_270, %dma_start3A_271] : memref<10240x128xf32, #tpu.memory_space<hbm>> -> memref<10240x128xf32, #tpu.memory_space<hbm>>
      tpu.enqueue_indirect_dma source(%dma_start3A_272 : memref<10240x128xf32, #tpu.memory_space<hbm>>) target(%dma_start3A_266 : memref<64x128xf32, #tpu.memory_space<vmem>>) offsets(%dma_start3A_269 : memref<64xi32, #tpu.memory_space<vmem>>) semaphore(%arg13 : memref<!tpu.dma_semaphore, #tpu.memory_space<semaphore_mem>>)
      %dma_wait3A_273 = arith.constant 0 : i32
      %dma_wait3A_274 = arith.constant 0 : i32
      %dma_wait3A_275 = arith.constant 0 : i32
      %dma_wait3A_276 = tpu.memref_slice %arg10[%dma_wait3A_274, %dma_wait3A_275] : memref<128x128xf32, #tpu.memory_space<vmem>> -> memref<64x128xf32, #tpu.memory_space<vmem>>
      %dma_wait3A_277 = arith.constant 0 : i32
      %dma_wait3A_278 = tpu.memref_slice %arg7[%dma_wait3A_273, %dma_wait3A_277] : memref<40x128xi32, #tpu.memory_space<vmem>> -> memref<1x64xi32, #tpu.memory_space<vmem>>
      %dma_wait3A_279 = tpu.memref_squeeze %dma_wait3A_278 : memref<1x64xi32, #tpu.memory_space<vmem>> -> memref<64xi32, #tpu.memory_space<vmem>>
      %dma_wait3A_280 = arith.constant 0 : i32
      %dma_wait3A_281 = arith.constant 0 : i32
      %dma_wait3A_282 = tpu.memref_slice %arg2[%dma_wait3A_280, %dma_wait3A_281] : memref<10240x128xf32, #tpu.memory_space<hbm>> -> memref<10240x128xf32, #tpu.memory_space<hbm>>
      tpu.wait_indirect_dma semaphore(%arg14 : memref<!tpu.dma_semaphore, #tpu.memory_space<semaphore_mem>>) src(%dma_wait3A_282 : memref<10240x128xf32, #tpu.memory_space<hbm>>) dst(%dma_wait3A_276 : memref<64x128xf32, #tpu.memory_space<vmem>>)
      %dma_wait3A_283 = arith.constant 0 : i32
      %dma_wait3A_284 = arith.constant 64 : i32
      %dma_wait3A_285 = arith.constant 0 : i32
      %dma_wait3A_286 = tpu.memref_slice %arg10[%dma_wait3A_284, %dma_wait3A_285] : memref<128x128xf32, #tpu.memory_space<vmem>> -> memref<64x128xf32, #tpu.memory_space<vmem>>
      %dma_wait3A_287 = arith.constant 0 : i32
      %dma_wait3A_288 = tpu.memref_slice %arg7[%dma_wait3A_283, %dma_wait3A_287] : memref<40x128xi32, #tpu.memory_space<vmem>> -> memref<1x64xi32, #tpu.memory_space<vmem>>
      %dma_wait3A_289 = tpu.memref_squeeze %dma_wait3A_288 : memref<1x64xi32, #tpu.memory_space<vmem>> -> memref<64xi32, #tpu.memory_space<vmem>>
      %dma_wait3A_290 = arith.constant 0 : i32
      %dma_wait3A_291 = arith.constant 0 : i32
      %dma_wait3A_292 = tpu.memref_slice %arg2[%dma_wait3A_290, %dma_wait3A_291] : memref<10240x128xf32, #tpu.memory_space<hbm>> -> memref<10240x128xf32, #tpu.memory_space<hbm>>
      tpu.wait_indirect_dma semaphore(%arg15 : memref<!tpu.dma_semaphore, #tpu.memory_space<semaphore_mem>>) src(%dma_wait3A_292 : memref<10240x128xf32, #tpu.memory_space<hbm>>) dst(%dma_wait3A_286 : memref<64x128xf32, #tpu.memory_space<vmem>>)
      %dma_start3A_293 = arith.constant 0 : i32
      %dma_start3A_294 = tpu.memref_slice %arg8[%add3A_245, %dma_start3A_293] : memref<40x128xi32, #tpu.memory_space<vmem>> -> memref<1x128xi32, #tpu.memory_space<vmem>>
      %dma_start3A_295 = tpu.memref_squeeze %dma_start3A_294 : memref<1x128xi32, #tpu.memory_space<vmem>> -> memref<128xi32, #tpu.memory_space<vmem>>
      %dma_start3A_296 = arith.constant 0 : i32
      %dma_start3A_297 = arith.constant 0 : i32
      %dma_start3A_298 = tpu.memref_slice %arg11[%dma_start3A_296, %dma_start3A_297] : memref<10240x128xf32, #tpu.memory_space<vmem_shared>> -> memref<10240x128xf32, #tpu.memory_space<vmem_shared>>
      tpu.enqueue_indirect_dma source(%arg10 : memref<128x128xf32, #tpu.memory_space<vmem>>) target(%dma_start3A_298 : memref<10240x128xf32, #tpu.memory_space<vmem_shared>>) offsets(%dma_start3A_295 : memref<128xi32, #tpu.memory_space<vmem>>) semaphore(%arg17 : memref<!tpu.dma_semaphore, #tpu.memory_space<semaphore_mem>>) {add = true}
      %dma_wait3A_299 = arith.constant 0 : i32
      %dma_wait3A_300 = arith.constant 0 : i32
      %dma_wait3A_301 = tpu.memref_slice %arg8[%dma_wait3A_299, %dma_wait3A_300] : memref<40x128xi32, #tpu.memory_space<vmem>> -> memref<1x128xi32, #tpu.memory_space<vmem>>
      %dma_wait3A_302 = tpu.memref_squeeze %dma_wait3A_301 : memref<1x128xi32, #tpu.memory_space<vmem>> -> memref<128xi32, #tpu.memory_space<vmem>>
      %dma_wait3A_303 = arith.constant 0 : i32
      %dma_wait3A_304 = arith.constant 0 : i32
      %dma_wait3A_305 = tpu.memref_slice %arg11[%dma_wait3A_303, %dma_wait3A_304] : memref<10240x128xf32, #tpu.memory_space<vmem_shared>> -> memref<10240x128xf32, #tpu.memory_space<vmem_shared>>
      tpu.wait_indirect_dma semaphore(%arg17 : memref<!tpu.dma_semaphore, #tpu.memory_space<semaphore_mem>>) src(%arg10 : memref<128x128xf32, #tpu.memory_space<vmem>>) dst(%dma_wait3A_305 : memref<10240x128xf32, #tpu.memory_space<vmem_shared>>)
      %add3A_306 = arith.constant 2 : i32
      %add3A_307 = arith.addi %add3A_245, %add3A_306 : i32
      %dma_start3A_308 = arith.constant 0 : i32
      %dma_start3A_309 = arith.constant 0 : i32
      %dma_start3A_310 = tpu.memref_slice %arg10[%dma_start3A_308, %dma_start3A_309] : memref<128x128xf32, #tpu.memory_space<vmem>> -> memref<64x128xf32, #tpu.memory_space<vmem>>
      %dma_start3A_311 = arith.constant 0 : i32
      %dma_start3A_312 = tpu.memref_slice %arg7[%add3A_307, %dma_start3A_311] : memref<40x128xi32, #tpu.memory_space<vmem>> -> memref<1x64xi32, #tpu.memory_space<vmem>>
      %dma_start3A_313 = tpu.memref_squeeze %dma_start3A_312 : memref<1x64xi32, #tpu.memory_space<vmem>> -> memref<64xi32, #tpu.memory_space<vmem>>
      %dma_start3A_314 = arith.constant 0 : i32
      %dma_start3A_315 = arith.constant 0 : i32
      %dma_start3A_316 = tpu.memref_slice %arg2[%dma_start3A_314, %dma_start3A_315] : memref<10240x128xf32, #tpu.memory_space<hbm>> -> memref<10240x128xf32, #tpu.memory_space<hbm>>
      tpu.enqueue_indirect_dma source(%dma_start3A_316 : memref<10240x128xf32, #tpu.memory_space<hbm>>) target(%dma_start3A_310 : memref<64x128xf32, #tpu.memory_space<vmem>>) offsets(%dma_start3A_313 : memref<64xi32, #tpu.memory_space<vmem>>) semaphore(%arg14 : memref<!tpu.dma_semaphore, #tpu.memory_space<semaphore_mem>>)
      %dma_start3A_317 = arith.constant 64 : i32
      %dma_start3A_318 = arith.constant 0 : i32
      %dma_start3A_319 = tpu.memref_slice %arg10[%dma_start3A_317, %dma_start3A_318] : memref<128x128xf32, #tpu.memory_space<vmem>> -> memref<64x128xf32, #tpu.memory_space<vmem>>
      %dma_start3A_320 = arith.constant 64 : i32
      %dma_start3A_321 = tpu.memref_slice %arg7[%add3A_307, %dma_start3A_320] : memref<40x128xi32, #tpu.memory_space<vmem>> -> memref<1x64xi32, #tpu.memory_space<vmem>>
      %dma_start3A_322 = tpu.memref_squeeze %dma_start3A_321 : memref<1x64xi32, #tpu.memory_space<vmem>> -> memref<64xi32, #tpu.memory_space<vmem>>
      %dma_start3A_323 = arith.constant 0 : i32
      %dma_start3A_324 = arith.constant 0 : i32
      %dma_start3A_325 = tpu.memref_slice %arg2[%dma_start3A_323, %dma_start3A_324] : memref<10240x128xf32, #tpu.memory_space<hbm>> -> memref<10240x128xf32, #tpu.memory_space<hbm>>
      tpu.enqueue_indirect_dma source(%dma_start3A_325 : memref<10240x128xf32, #tpu.memory_space<hbm>>) target(%dma_start3A_319 : memref<64x128xf32, #tpu.memory_space<vmem>>) offsets(%dma_start3A_322 : memref<64xi32, #tpu.memory_space<vmem>>) semaphore(%arg15 : memref<!tpu.dma_semaphore, #tpu.memory_space<semaphore_mem>>)
      %dma_wait3A_326 = arith.constant 0 : i32
      %dma_wait3A_327 = arith.constant 0 : i32
      %dma_wait3A_328 = arith.constant 0 : i32
      %dma_wait3A_329 = tpu.memref_slice %arg9[%dma_wait3A_327, %dma_wait3A_328] : memref<128x128xf32, #tpu.memory_space<vmem>> -> memref<64x128xf32, #tpu.memory_space<vmem>>
      %dma_wait3A_330 = arith.constant 0 : i32
      %dma_wait3A_331 = tpu.memref_slice %arg7[%dma_wait3A_326, %dma_wait3A_330] : memref<40x128xi32, #tpu.memory_space<vmem>> -> memref<1x64xi32, #tpu.memory_space<vmem>>
      %dma_wait3A_332 = tpu.memref_squeeze %dma_wait3A_331 : memref<1x64xi32, #tpu.memory_space<vmem>> -> memref<64xi32, #tpu.memory_space<vmem>>
      %dma_wait3A_333 = arith.constant 0 : i32
      %dma_wait3A_334 = arith.constant 0 : i32
      %dma_wait3A_335 = tpu.memref_slice %arg2[%dma_wait3A_333, %dma_wait3A_334] : memref<10240x128xf32, #tpu.memory_space<hbm>> -> memref<10240x128xf32, #tpu.memory_space<hbm>>
      tpu.wait_indirect_dma semaphore(%arg12 : memref<!tpu.dma_semaphore, #tpu.memory_space<semaphore_mem>>) src(%dma_wait3A_335 : memref<10240x128xf32, #tpu.memory_space<hbm>>) dst(%dma_wait3A_329 : memref<64x128xf32, #tpu.memory_space<vmem>>)
      %dma_wait3A_336 = arith.constant 0 : i32
      %dma_wait3A_337 = arith.constant 64 : i32
      %dma_wait3A_338 = arith.constant 0 : i32
      %dma_wait3A_339 = tpu.memref_slice %arg9[%dma_wait3A_337, %dma_wait3A_338] : memref<128x128xf32, #tpu.memory_space<vmem>> -> memref<64x128xf32, #tpu.memory_space<vmem>>
      %dma_wait3A_340 = arith.constant 0 : i32
      %dma_wait3A_341 = tpu.memref_slice %arg7[%dma_wait3A_336, %dma_wait3A_340] : memref<40x128xi32, #tpu.memory_space<vmem>> -> memref<1x64xi32, #tpu.memory_space<vmem>>
      %dma_wait3A_342 = tpu.memref_squeeze %dma_wait3A_341 : memref<1x64xi32, #tpu.memory_space<vmem>> -> memref<64xi32, #tpu.memory_space<vmem>>
      %dma_wait3A_343 = arith.constant 0 : i32
      %dma_wait3A_344 = arith.constant 0 : i32
      %dma_wait3A_345 = tpu.memref_slice %arg2[%dma_wait3A_343, %dma_wait3A_344] : memref<10240x128xf32, #tpu.memory_space<hbm>> -> memref<10240x128xf32, #tpu.memory_space<hbm>>
      tpu.wait_indirect_dma semaphore(%arg13 : memref<!tpu.dma_semaphore, #tpu.memory_space<semaphore_mem>>) src(%dma_wait3A_345 : memref<10240x128xf32, #tpu.memory_space<hbm>>) dst(%dma_wait3A_339 : memref<64x128xf32, #tpu.memory_space<vmem>>)
      %add3A_346 = arith.constant 1 : i32
      %add3A_347 = arith.addi %add3A_245, %add3A_346 : i32
      %dma_start3A_348 = arith.constant 0 : i32
      %dma_start3A_349 = tpu.memref_slice %arg8[%add3A_347, %dma_start3A_348] : memref<40x128xi32, #tpu.memory_space<vmem>> -> memref<1x128xi32, #tpu.memory_space<vmem>>
      %dma_start3A_350 = tpu.memref_squeeze %dma_start3A_349 : memref<1x128xi32, #tpu.memory_space<vmem>> -> memref<128xi32, #tpu.memory_space<vmem>>
      %dma_start3A_351 = arith.constant 0 : i32
      %dma_start3A_352 = arith.constant 0 : i32
      %dma_start3A_353 = tpu.memref_slice %arg11[%dma_start3A_351, %dma_start3A_352] : memref<10240x128xf32, #tpu.memory_space<vmem_shared>> -> memref<10240x128xf32, #tpu.memory_space<vmem_shared>>
      tpu.enqueue_indirect_dma source(%arg9 : memref<128x128xf32, #tpu.memory_space<vmem>>) target(%dma_start3A_353 : memref<10240x128xf32, #tpu.memory_space<vmem_shared>>) offsets(%dma_start3A_350 : memref<128xi32, #tpu.memory_space<vmem>>) semaphore(%arg16 : memref<!tpu.dma_semaphore, #tpu.memory_space<semaphore_mem>>) {add = true}
    }
    %scan3A_77 = arith.constant 19 : i32
    %dma_wait3A_78 = arith.constant 0 : i32
    %dma_wait3A_79 = arith.constant 0 : i32
    %dma_wait3A_80 = arith.constant 0 : i32
    %dma_wait3A_81 = tpu.memref_slice %arg10[%dma_wait3A_79, %dma_wait3A_80] : memref<128x128xf32, #tpu.memory_space<vmem>> -> memref<64x128xf32, #tpu.memory_space<vmem>>
    %dma_wait3A_82 = arith.constant 0 : i32
    %dma_wait3A_83 = tpu.memref_slice %arg7[%dma_wait3A_78, %dma_wait3A_82] : memref<40x128xi32, #tpu.memory_space<vmem>> -> memref<1x64xi32, #tpu.memory_space<vmem>>
    %dma_wait3A_84 = tpu.memref_squeeze %dma_wait3A_83 : memref<1x64xi32, #tpu.memory_space<vmem>> -> memref<64xi32, #tpu.memory_space<vmem>>
    %dma_wait3A_85 = arith.constant 0 : i32
    %dma_wait3A_86 = arith.constant 0 : i32
    %dma_wait3A_87 = tpu.memref_slice %arg2[%dma_wait3A_85, %dma_wait3A_86] : memref<10240x128xf32, #tpu.memory_space<hbm>> -> memref<10240x128xf32, #tpu.memory_space<hbm>>
    tpu.wait_indirect_dma semaphore(%arg14 : memref<!tpu.dma_semaphore, #tpu.memory_space<semaphore_mem>>) src(%dma_wait3A_87 : memref<10240x128xf32, #tpu.memory_space<hbm>>) dst(%dma_wait3A_81 : memref<64x128xf32, #tpu.memory_space<vmem>>)
    %dma_wait3A_88 = arith.constant 0 : i32
    %dma_wait3A_89 = arith.constant 64 : i32
    %dma_wait3A_90 = arith.constant 0 : i32
    %dma_wait3A_91 = tpu.memref_slice %arg10[%dma_wait3A_89, %dma_wait3A_90] : memref<128x128xf32, #tpu.memory_space<vmem>> -> memref<64x128xf32, #tpu.memory_space<vmem>>
    %dma_wait3A_92 = arith.constant 0 : i32
    %dma_wait3A_93 = tpu.memref_slice %arg7[%dma_wait3A_88, %dma_wait3A_92] : memref<40x128xi32, #tpu.memory_space<vmem>> -> memref<1x64xi32, #tpu.memory_space<vmem>>
    %dma_wait3A_94 = tpu.memref_squeeze %dma_wait3A_93 : memref<1x64xi32, #tpu.memory_space<vmem>> -> memref<64xi32, #tpu.memory_space<vmem>>
    %dma_wait3A_95 = arith.constant 0 : i32
    %dma_wait3A_96 = arith.constant 0 : i32
    %dma_wait3A_97 = tpu.memref_slice %arg2[%dma_wait3A_95, %dma_wait3A_96] : memref<10240x128xf32, #tpu.memory_space<hbm>> -> memref<10240x128xf32, #tpu.memory_space<hbm>>
    tpu.wait_indirect_dma semaphore(%arg15 : memref<!tpu.dma_semaphore, #tpu.memory_space<semaphore_mem>>) src(%dma_wait3A_97 : memref<10240x128xf32, #tpu.memory_space<hbm>>) dst(%dma_wait3A_91 : memref<64x128xf32, #tpu.memory_space<vmem>>)
    %dma_start3A_98 = arith.constant 39 : i32
    %dma_start3A_99 = arith.constant 0 : i32
    %dma_start3A_100 = tpu.memref_slice %arg8[%dma_start3A_98, %dma_start3A_99] : memref<40x128xi32, #tpu.memory_space<vmem>> -> memref<1x128xi32, #tpu.memory_space<vmem>>
    %dma_start3A_101 = tpu.memref_squeeze %dma_start3A_100 : memref<1x128xi32, #tpu.memory_space<vmem>> -> memref<128xi32, #tpu.memory_space<vmem>>
    %dma_start3A_102 = arith.constant 0 : i32
    %dma_start3A_103 = arith.constant 0 : i32
    %dma_start3A_104 = tpu.memref_slice %arg11[%dma_start3A_102, %dma_start3A_103] : memref<10240x128xf32, #tpu.memory_space<vmem_shared>> -> memref<10240x128xf32, #tpu.memory_space<vmem_shared>>
    tpu.enqueue_indirect_dma source(%arg10 : memref<128x128xf32, #tpu.memory_space<vmem>>) target(%dma_start3A_104 : memref<10240x128xf32, #tpu.memory_space<vmem_shared>>) offsets(%dma_start3A_101 : memref<128xi32, #tpu.memory_space<vmem>>) semaphore(%arg17 : memref<!tpu.dma_semaphore, #tpu.memory_space<semaphore_mem>>) {add = true}
    %dma_wait3A_105 = arith.constant 0 : i32
    %dma_wait3A_106 = arith.constant 0 : i32
    %dma_wait3A_107 = tpu.memref_slice %arg8[%dma_wait3A_105, %dma_wait3A_106] : memref<40x128xi32, #tpu.memory_space<vmem>> -> memref<1x128xi32, #tpu.memory_space<vmem>>
    %dma_wait3A_108 = tpu.memref_squeeze %dma_wait3A_107 : memref<1x128xi32, #tpu.memory_space<vmem>> -> memref<128xi32, #tpu.memory_space<vmem>>
    %dma_wait3A_109 = arith.constant 0 : i32
    %dma_wait3A_110 = arith.constant 0 : i32
    %dma_wait3A_111 = tpu.memref_slice %arg11[%dma_wait3A_109, %dma_wait3A_110] : memref<10240x128xf32, #tpu.memory_space<vmem_shared>> -> memref<10240x128xf32, #tpu.memory_space<vmem_shared>>
    tpu.wait_indirect_dma semaphore(%arg16 : memref<!tpu.dma_semaphore, #tpu.memory_space<semaphore_mem>>) src(%arg9 : memref<128x128xf32, #tpu.memory_space<vmem>>) dst(%dma_wait3A_111 : memref<10240x128xf32, #tpu.memory_space<vmem_shared>>)
    %dma_wait3A_112 = arith.constant 0 : i32
    %dma_wait3A_113 = arith.constant 0 : i32
    %dma_wait3A_114 = tpu.memref_slice %arg8[%dma_wait3A_112, %dma_wait3A_113] : memref<40x128xi32, #tpu.memory_space<vmem>> -> memref<1x128xi32, #tpu.memory_space<vmem>>
    %dma_wait3A_115 = tpu.memref_squeeze %dma_wait3A_114 : memref<1x128xi32, #tpu.memory_space<vmem>> -> memref<128xi32, #tpu.memory_space<vmem>>
    %dma_wait3A_116 = arith.constant 0 : i32
    %dma_wait3A_117 = arith.constant 0 : i32
    %dma_wait3A_118 = tpu.memref_slice %arg11[%dma_wait3A_116, %dma_wait3A_117] : memref<10240x128xf32, #tpu.memory_space<vmem_shared>> -> memref<10240x128xf32, #tpu.memory_space<vmem_shared>>
    tpu.wait_indirect_dma semaphore(%arg17 : memref<!tpu.dma_semaphore, #tpu.memory_space<semaphore_mem>>) src(%arg10 : memref<128x128xf32, #tpu.memory_space<vmem>>) dst(%dma_wait3A_118 : memref<10240x128xf32, #tpu.memory_space<vmem_shared>>)
    %add3A_119 = arith.constant 40 : i32
    %add3A_120 = arith.addi %mul3A_4, %add3A_119 : i32
    "tpu.region"() ({
      %run_scoped3A = tpu.sem_alloc : memref<!tpu.dma_semaphore, #tpu.memory_space<semaphore_mem>>
      %dma_start3A_237 = arith.constant 0 : i32
      %dma_start3A_238 = tpu.memref_slice %arg3[%add3A_120, %dma_start3A_237] : memref<2560x128xi32, #tpu.memory_space<hbm>> -> memref<40x128xi32, #tpu.memory_space<hbm>>
      %dma_start3A_239 = arith.constant 0 : i32
      %dma_start3A_240 = tpu.memref_slice %arg3[%add3A_120, %dma_start3A_239] : memref<2560x128xi32, #tpu.memory_space<hbm>> -> memref<40x128xi32, #tpu.memory_space<hbm>>
      tpu.enqueue_dma source(%dma_start3A_240 : memref<40x128xi32, #tpu.memory_space<hbm>>) target(%arg7 : memref<40x128xi32, #tpu.memory_space<vmem>>) target_semaphore(%run_scoped3A : memref<!tpu.dma_semaphore, #tpu.memory_space<semaphore_mem>>)
      %dma_wait3A_241 = arith.constant 0 : i32
      %dma_wait3A_242 = tpu.memref_slice %arg3[%add3A_120, %dma_wait3A_241] : memref<2560x128xi32, #tpu.memory_space<hbm>> -> memref<40x128xi32, #tpu.memory_space<hbm>>
      %dma_wait3A_243 = arith.constant 0 : i32
      %dma_wait3A_244 = tpu.memref_slice %arg3[%add3A_120, %dma_wait3A_243] : memref<2560x128xi32, #tpu.memory_space<hbm>> -> memref<40x128xi32, #tpu.memory_space<hbm>>
      tpu.wait_dma2 semaphore(%run_scoped3A : memref<!tpu.dma_semaphore, #tpu.memory_space<semaphore_mem>>) src(%dma_wait3A_244 : memref<40x128xi32, #tpu.memory_space<hbm>>) dst(%arg7 : memref<40x128xi32, #tpu.memory_space<vmem>>)
      tpu.yield
    }) : () -> ()
    %add3A_121 = arith.constant 40 : i32
    %add3A_122 = arith.addi %mul3A_4, %add3A_121 : i32
    "tpu.region"() ({
      %run_scoped3A = tpu.sem_alloc : memref<!tpu.dma_semaphore, #tpu.memory_space<semaphore_mem>>
      %dma_start3A_237 = arith.constant 0 : i32
      %dma_start3A_238 = tpu.memref_slice %arg4[%add3A_122, %dma_start3A_237] : memref<2560x128xi32, #tpu.memory_space<hbm>> -> memref<40x128xi32, #tpu.memory_space<hbm>>
      %dma_start3A_239 = arith.constant 0 : i32
      %dma_start3A_240 = tpu.memref_slice %arg4[%add3A_122, %dma_start3A_239] : memref<2560x128xi32, #tpu.memory_space<hbm>> -> memref<40x128xi32, #tpu.memory_space<hbm>>
      tpu.enqueue_dma source(%dma_start3A_240 : memref<40x128xi32, #tpu.memory_space<hbm>>) target(%arg8 : memref<40x128xi32, #tpu.memory_space<vmem>>) target_semaphore(%run_scoped3A : memref<!tpu.dma_semaphore, #tpu.memory_space<semaphore_mem>>)
      %dma_wait3A_241 = arith.constant 0 : i32
      %dma_wait3A_242 = tpu.memref_slice %arg4[%add3A_122, %dma_wait3A_241] : memref<2560x128xi32, #tpu.memory_space<hbm>> -> memref<40x128xi32, #tpu.memory_space<hbm>>
      %dma_wait3A_243 = arith.constant 0 : i32
      %dma_wait3A_244 = tpu.memref_slice %arg4[%add3A_122, %dma_wait3A_243] : memref<2560x128xi32, #tpu.memory_space<hbm>> -> memref<40x128xi32, #tpu.memory_space<hbm>>
      tpu.wait_dma2 semaphore(%run_scoped3A : memref<!tpu.dma_semaphore, #tpu.memory_space<semaphore_mem>>) src(%dma_wait3A_244 : memref<40x128xi32, #tpu.memory_space<hbm>>) dst(%arg8 : memref<40x128xi32, #tpu.memory_space<vmem>>)
      tpu.yield
    }) : () -> ()
    %dma_start3A_123 = arith.constant 0 : i32
    %dma_start3A_124 = arith.constant 0 : i32
    %dma_start3A_125 = arith.constant 0 : i32
    %dma_start3A_126 = tpu.memref_slice %arg9[%dma_start3A_124, %dma_start3A_125] : memref<128x128xf32, #tpu.memory_space<vmem>> -> memref<64x128xf32, #tpu.memory_space<vmem>>
    %dma_start3A_127 = arith.constant 0 : i32
    %dma_start3A_128 = tpu.memref_slice %arg7[%dma_start3A_123, %dma_start3A_127] : memref<40x128xi32, #tpu.memory_space<vmem>> -> memref<1x64xi32, #tpu.memory_space<vmem>>
    %dma_start3A_129 = tpu.memref_squeeze %dma_start3A_128 : memref<1x64xi32, #tpu.memory_space<vmem>> -> memref<64xi32, #tpu.memory_space<vmem>>
    %dma_start3A_130 = arith.constant 0 : i32
    %dma_start3A_131 = arith.constant 0 : i32
    %dma_start3A_132 = tpu.memref_slice %arg2[%dma_start3A_130, %dma_start3A_131] : memref<10240x128xf32, #tpu.memory_space<hbm>> -> memref<10240x128xf32, #tpu.memory_space<hbm>>
    tpu.enqueue_indirect_dma source(%dma_start3A_132 : memref<10240x128xf32, #tpu.memory_space<hbm>>) target(%dma_start3A_126 : memref<64x128xf32, #tpu.memory_space<vmem>>) offsets(%dma_start3A_129 : memref<64xi32, #tpu.memory_space<vmem>>) semaphore(%arg12 : memref<!tpu.dma_semaphore, #tpu.memory_space<semaphore_mem>>)
    %dma_start3A_133 = arith.constant 0 : i32
    %dma_start3A_134 = arith.constant 64 : i32
    %dma_start3A_135 = arith.constant 0 : i32
    %dma_start3A_136 = tpu.memref_slice %arg9[%dma_start3A_134, %dma_start3A_135] : memref<128x128xf32, #tpu.memory_space<vmem>> -> memref<64x128xf32, #tpu.memory_space<vmem>>
    %dma_start3A_137 = arith.constant 64 : i32
    %dma_start3A_138 = tpu.memref_slice %arg7[%dma_start3A_133, %dma_start3A_137] : memref<40x128xi32, #tpu.memory_space<vmem>> -> memref<1x64xi32, #tpu.memory_space<vmem>>
    %dma_start3A_139 = tpu.memref_squeeze %dma_start3A_138 : memref<1x64xi32, #tpu.memory_space<vmem>> -> memref<64xi32, #tpu.memory_space<vmem>>
    %dma_start3A_140 = arith.constant 0 : i32
    %dma_start3A_141 = arith.constant 0 : i32
    %dma_start3A_142 = tpu.memref_slice %arg2[%dma_start3A_140, %dma_start3A_141] : memref<10240x128xf32, #tpu.memory_space<hbm>> -> memref<10240x128xf32, #tpu.memory_space<hbm>>
    tpu.enqueue_indirect_dma source(%dma_start3A_142 : memref<10240x128xf32, #tpu.memory_space<hbm>>) target(%dma_start3A_136 : memref<64x128xf32, #tpu.memory_space<vmem>>) offsets(%dma_start3A_139 : memref<64xi32, #tpu.memory_space<vmem>>) semaphore(%arg13 : memref<!tpu.dma_semaphore, #tpu.memory_space<semaphore_mem>>)
    %dma_start3A_143 = arith.constant 1 : i32
    %dma_start3A_144 = arith.constant 0 : i32
    %dma_start3A_145 = arith.constant 0 : i32
    %dma_start3A_146 = tpu.memref_slice %arg10[%dma_start3A_144, %dma_start3A_145] : memref<128x128xf32, #tpu.memory_space<vmem>> -> memref<64x128xf32, #tpu.memory_space<vmem>>
    %dma_start3A_147 = arith.constant 0 : i32
    %dma_start3A_148 = tpu.memref_slice %arg7[%dma_start3A_143, %dma_start3A_147] : memref<40x128xi32, #tpu.memory_space<vmem>> -> memref<1x64xi32, #tpu.memory_space<vmem>>
    %dma_start3A_149 = tpu.memref_squeeze %dma_start3A_148 : memref<1x64xi32, #tpu.memory_space<vmem>> -> memref<64xi32, #tpu.memory_space<vmem>>
    %dma_start3A_150 = arith.constant 0 : i32
    %dma_start3A_151 = arith.constant 0 : i32
    %dma_start3A_152 = tpu.memref_slice %arg2[%dma_start3A_150, %dma_start3A_151] : memref<10240x128xf32, #tpu.memory_space<hbm>> -> memref<10240x128xf32, #tpu.memory_space<hbm>>
    tpu.enqueue_indirect_dma source(%dma_start3A_152 : memref<10240x128xf32, #tpu.memory_space<hbm>>) target(%dma_start3A_146 : memref<64x128xf32, #tpu.memory_space<vmem>>) offsets(%dma_start3A_149 : memref<64xi32, #tpu.memory_space<vmem>>) semaphore(%arg14 : memref<!tpu.dma_semaphore, #tpu.memory_space<semaphore_mem>>)
    %dma_start3A_153 = arith.constant 1 : i32
    %dma_start3A_154 = arith.constant 64 : i32
    %dma_start3A_155 = arith.constant 0 : i32
    %dma_start3A_156 = tpu.memref_slice %arg10[%dma_start3A_154, %dma_start3A_155] : memref<128x128xf32, #tpu.memory_space<vmem>> -> memref<64x128xf32, #tpu.memory_space<vmem>>
    %dma_start3A_157 = arith.constant 64 : i32
    %dma_start3A_158 = tpu.memref_slice %arg7[%dma_start3A_153, %dma_start3A_157] : memref<40x128xi32, #tpu.memory_space<vmem>> -> memref<1x64xi32, #tpu.memory_space<vmem>>
    %dma_start3A_159 = tpu.memref_squeeze %dma_start3A_158 : memref<1x64xi32, #tpu.memory_space<vmem>> -> memref<64xi32, #tpu.memory_space<vmem>>
    %dma_start3A_160 = arith.constant 0 : i32
    %dma_start3A_161 = arith.constant 0 : i32
    %dma_start3A_162 = tpu.memref_slice %arg2[%dma_start3A_160, %dma_start3A_161] : memref<10240x128xf32, #tpu.memory_space<hbm>> -> memref<10240x128xf32, #tpu.memory_space<hbm>>
    tpu.enqueue_indirect_dma source(%dma_start3A_162 : memref<10240x128xf32, #tpu.memory_space<hbm>>) target(%dma_start3A_156 : memref<64x128xf32, #tpu.memory_space<vmem>>) offsets(%dma_start3A_159 : memref<64xi32, #tpu.memory_space<vmem>>) semaphore(%arg15 : memref<!tpu.dma_semaphore, #tpu.memory_space<semaphore_mem>>)
    %dma_wait3A_163 = arith.constant 0 : i32
    %dma_wait3A_164 = arith.constant 0 : i32
    %dma_wait3A_165 = arith.constant 0 : i32
    %dma_wait3A_166 = tpu.memref_slice %arg9[%dma_wait3A_164, %dma_wait3A_165] : memref<128x128xf32, #tpu.memory_space<vmem>> -> memref<64x128xf32, #tpu.memory_space<vmem>>
    %dma_wait3A_167 = arith.constant 0 : i32
    %dma_wait3A_168 = tpu.memref_slice %arg7[%dma_wait3A_163, %dma_wait3A_167] : memref<40x128xi32, #tpu.memory_space<vmem>> -> memref<1x64xi32, #tpu.memory_space<vmem>>
    %dma_wait3A_169 = tpu.memref_squeeze %dma_wait3A_168 : memref<1x64xi32, #tpu.memory_space<vmem>> -> memref<64xi32, #tpu.memory_space<vmem>>
    %dma_wait3A_170 = arith.constant 0 : i32
    %dma_wait3A_171 = arith.constant 0 : i32
    %dma_wait3A_172 = tpu.memref_slice %arg2[%dma_wait3A_170, %dma_wait3A_171] : memref<10240x128xf32, #tpu.memory_space<hbm>> -> memref<10240x128xf32, #tpu.memory_space<hbm>>
    tpu.wait_indirect_dma semaphore(%arg12 : memref<!tpu.dma_semaphore, #tpu.memory_space<semaphore_mem>>) src(%dma_wait3A_172 : memref<10240x128xf32, #tpu.memory_space<hbm>>) dst(%dma_wait3A_166 : memref<64x128xf32, #tpu.memory_space<vmem>>)
    %dma_wait3A_173 = arith.constant 0 : i32
    %dma_wait3A_174 = arith.constant 64 : i32
    %dma_wait3A_175 = arith.constant 0 : i32
    %dma_wait3A_176 = tpu.memref_slice %arg9[%dma_wait3A_174, %dma_wait3A_175] : memref<128x128xf32, #tpu.memory_space<vmem>> -> memref<64x128xf32, #tpu.memory_space<vmem>>
    %dma_wait3A_177 = arith.constant 0 : i32
    %dma_wait3A_178 = tpu.memref_slice %arg7[%dma_wait3A_173, %dma_wait3A_177] : memref<40x128xi32, #tpu.memory_space<vmem>> -> memref<1x64xi32, #tpu.memory_space<vmem>>
    %dma_wait3A_179 = tpu.memref_squeeze %dma_wait3A_178 : memref<1x64xi32, #tpu.memory_space<vmem>> -> memref<64xi32, #tpu.memory_space<vmem>>
    %dma_wait3A_180 = arith.constant 0 : i32
    %dma_wait3A_181 = arith.constant 0 : i32
    %dma_wait3A_182 = tpu.memref_slice %arg2[%dma_wait3A_180, %dma_wait3A_181] : memref<10240x128xf32, #tpu.memory_space<hbm>> -> memref<10240x128xf32, #tpu.memory_space<hbm>>
    tpu.wait_indirect_dma semaphore(%arg13 : memref<!tpu.dma_semaphore, #tpu.memory_space<semaphore_mem>>) src(%dma_wait3A_182 : memref<10240x128xf32, #tpu.memory_space<hbm>>) dst(%dma_wait3A_176 : memref<64x128xf32, #tpu.memory_space<vmem>>)
    %dma_start3A_183 = arith.constant 0 : i32
    %dma_start3A_184 = arith.constant 0 : i32
    %dma_start3A_185 = tpu.memref_slice %arg8[%dma_start3A_183, %dma_start3A_184] : memref<40x128xi32, #tpu.memory_space<vmem>> -> memref<1x128xi32, #tpu.memory_space<vmem>>
    %dma_start3A_186 = tpu.memref_squeeze %dma_start3A_185 : memref<1x128xi32, #tpu.memory_space<vmem>> -> memref<128xi32, #tpu.memory_space<vmem>>
    %dma_start3A_187 = arith.constant 0 : i32
    %dma_start3A_188 = arith.constant 0 : i32
    %dma_start3A_189 = tpu.memref_slice %arg11[%dma_start3A_187, %dma_start3A_188] : memref<10240x128xf32, #tpu.memory_space<vmem_shared>> -> memref<10240x128xf32, #tpu.memory_space<vmem_shared>>
    tpu.enqueue_indirect_dma source(%arg9 : memref<128x128xf32, #tpu.memory_space<vmem>>) target(%dma_start3A_189 : memref<10240x128xf32, #tpu.memory_space<vmem_shared>>) offsets(%dma_start3A_186 : memref<128xi32, #tpu.memory_space<vmem>>) semaphore(%arg16 : memref<!tpu.dma_semaphore, #tpu.memory_space<semaphore_mem>>) {add = true}
    %scan3A_190 = arith.constant 0 : i32
    %scan3A_191 = arith.constant 19 : i32
    %scan3A_192 = arith.addi %scan3A_190, %scan3A_191 : i32
    %scan3A_193 = arith.constant 1 : i32
    scf.for %scan3A_237 = %scan3A_190 to %scan3A_192 step %scan3A_193  : i32 {
      %mul3A_238 = arith.constant 1 : i32
      %mul3A_239 = arith.muli %scan3A_237, %mul3A_238 : i32
      %add3A_240 = arith.constant 0 : i32
      %add3A_241 = arith.addi %add3A_240, %mul3A_239 : i32
      %mul3A_242 = arith.constant 2 : i32
      %mul3A_243 = arith.muli %mul3A_242, %add3A_241 : i32
      %add3A_244 = arith.constant 1 : i32
      %add3A_245 = arith.addi %mul3A_243, %add3A_244 : i32
      %dma_wait3A_246 = arith.constant 0 : i32
      %dma_wait3A_247 = arith.constant 0 : i32
      %dma_wait3A_248 = tpu.memref_slice %arg8[%dma_wait3A_246, %dma_wait3A_247] : memref<40x128xi32, #tpu.memory_space<vmem>> -> memref<1x128xi32, #tpu.memory_space<vmem>>
      %dma_wait3A_249 = tpu.memref_squeeze %dma_wait3A_248 : memref<1x128xi32, #tpu.memory_space<vmem>> -> memref<128xi32, #tpu.memory_space<vmem>>
      %dma_wait3A_250 = arith.constant 0 : i32
      %dma_wait3A_251 = arith.constant 0 : i32
      %dma_wait3A_252 = tpu.memref_slice %arg11[%dma_wait3A_250, %dma_wait3A_251] : memref<10240x128xf32, #tpu.memory_space<vmem_shared>> -> memref<10240x128xf32, #tpu.memory_space<vmem_shared>>
      tpu.wait_indirect_dma semaphore(%arg16 : memref<!tpu.dma_semaphore, #tpu.memory_space<semaphore_mem>>) src(%arg9 : memref<128x128xf32, #tpu.memory_space<vmem>>) dst(%dma_wait3A_252 : memref<10240x128xf32, #tpu.memory_space<vmem_shared>>)
      %add3A_253 = arith.constant 1 : i32
      %add3A_254 = arith.addi %add3A_245, %add3A_253 : i32
      %dma_start3A_255 = arith.constant 0 : i32
      %dma_start3A_256 = arith.constant 0 : i32
      %dma_start3A_257 = tpu.memref_slice %arg9[%dma_start3A_255, %dma_start3A_256] : memref<128x128xf32, #tpu.memory_space<vmem>> -> memref<64x128xf32, #tpu.memory_space<vmem>>
      %dma_start3A_258 = arith.constant 0 : i32
      %dma_start3A_259 = tpu.memref_slice %arg7[%add3A_254, %dma_start3A_258] : memref<40x128xi32, #tpu.memory_space<vmem>> -> memref<1x64xi32, #tpu.memory_space<vmem>>
      %dma_start3A_260 = tpu.memref_squeeze %dma_start3A_259 : memref<1x64xi32, #tpu.memory_space<vmem>> -> memref<64xi32, #tpu.memory_space<vmem>>
      %dma_start3A_261 = arith.constant 0 : i32
      %dma_start3A_262 = arith.constant 0 : i32
      %dma_start3A_263 = tpu.memref_slice %arg2[%dma_start3A_261, %dma_start3A_262] : memref<10240x128xf32, #tpu.memory_space<hbm>> -> memref<10240x128xf32, #tpu.memory_space<hbm>>
      tpu.enqueue_indirect_dma source(%dma_start3A_263 : memref<10240x128xf32, #tpu.memory_space<hbm>>) target(%dma_start3A_257 : memref<64x128xf32, #tpu.memory_space<vmem>>) offsets(%dma_start3A_260 : memref<64xi32, #tpu.memory_space<vmem>>) semaphore(%arg12 : memref<!tpu.dma_semaphore, #tpu.memory_space<semaphore_mem>>)
      %dma_start3A_264 = arith.constant 64 : i32
      %dma_start3A_265 = arith.constant 0 : i32
      %dma_start3A_266 = tpu.memref_slice %arg9[%dma_start3A_264, %dma_start3A_265] : memref<128x128xf32, #tpu.memory_space<vmem>> -> memref<64x128xf32, #tpu.memory_space<vmem>>
      %dma_start3A_267 = arith.constant 64 : i32
      %dma_start3A_268 = tpu.memref_slice %arg7[%add3A_254, %dma_start3A_267] : memref<40x128xi32, #tpu.memory_space<vmem>> -> memref<1x64xi32, #tpu.memory_space<vmem>>
      %dma_start3A_269 = tpu.memref_squeeze %dma_start3A_268 : memref<1x64xi32, #tpu.memory_space<vmem>> -> memref<64xi32, #tpu.memory_space<vmem>>
      %dma_start3A_270 = arith.constant 0 : i32
      %dma_start3A_271 = arith.constant 0 : i32
      %dma_start3A_272 = tpu.memref_slice %arg2[%dma_start3A_270, %dma_start3A_271] : memref<10240x128xf32, #tpu.memory_space<hbm>> -> memref<10240x128xf32, #tpu.memory_space<hbm>>
      tpu.enqueue_indirect_dma source(%dma_start3A_272 : memref<10240x128xf32, #tpu.memory_space<hbm>>) target(%dma_start3A_266 : memref<64x128xf32, #tpu.memory_space<vmem>>) offsets(%dma_start3A_269 : memref<64xi32, #tpu.memory_space<vmem>>) semaphore(%arg13 : memref<!tpu.dma_semaphore, #tpu.memory_space<semaphore_mem>>)
      %dma_wait3A_273 = arith.constant 0 : i32
      %dma_wait3A_274 = arith.constant 0 : i32
      %dma_wait3A_275 = arith.constant 0 : i32
      %dma_wait3A_276 = tpu.memref_slice %arg10[%dma_wait3A_274, %dma_wait3A_275] : memref<128x128xf32, #tpu.memory_space<vmem>> -> memref<64x128xf32, #tpu.memory_space<vmem>>
      %dma_wait3A_277 = arith.constant 0 : i32
      %dma_wait3A_278 = tpu.memref_slice %arg7[%dma_wait3A_273, %dma_wait3A_277] : memref<40x128xi32, #tpu.memory_space<vmem>> -> memref<1x64xi32, #tpu.memory_space<vmem>>
      %dma_wait3A_279 = tpu.memref_squeeze %dma_wait3A_278 : memref<1x64xi32, #tpu.memory_space<vmem>> -> memref<64xi32, #tpu.memory_space<vmem>>
      %dma_wait3A_280 = arith.constant 0 : i32
      %dma_wait3A_281 = arith.constant 0 : i32
      %dma_wait3A_282 = tpu.memref_slice %arg2[%dma_wait3A_280, %dma_wait3A_281] : memref<10240x128xf32, #tpu.memory_space<hbm>> -> memref<10240x128xf32, #tpu.memory_space<hbm>>
      tpu.wait_indirect_dma semaphore(%arg14 : memref<!tpu.dma_semaphore, #tpu.memory_space<semaphore_mem>>) src(%dma_wait3A_282 : memref<10240x128xf32, #tpu.memory_space<hbm>>) dst(%dma_wait3A_276 : memref<64x128xf32, #tpu.memory_space<vmem>>)
      %dma_wait3A_283 = arith.constant 0 : i32
      %dma_wait3A_284 = arith.constant 64 : i32
      %dma_wait3A_285 = arith.constant 0 : i32
      %dma_wait3A_286 = tpu.memref_slice %arg10[%dma_wait3A_284, %dma_wait3A_285] : memref<128x128xf32, #tpu.memory_space<vmem>> -> memref<64x128xf32, #tpu.memory_space<vmem>>
      %dma_wait3A_287 = arith.constant 0 : i32
      %dma_wait3A_288 = tpu.memref_slice %arg7[%dma_wait3A_283, %dma_wait3A_287] : memref<40x128xi32, #tpu.memory_space<vmem>> -> memref<1x64xi32, #tpu.memory_space<vmem>>
      %dma_wait3A_289 = tpu.memref_squeeze %dma_wait3A_288 : memref<1x64xi32, #tpu.memory_space<vmem>> -> memref<64xi32, #tpu.memory_space<vmem>>
      %dma_wait3A_290 = arith.constant 0 : i32
      %dma_wait3A_291 = arith.constant 0 : i32
      %dma_wait3A_292 = tpu.memref_slice %arg2[%dma_wait3A_290, %dma_wait3A_291] : memref<10240x128xf32, #tpu.memory_space<hbm>> -> memref<10240x128xf32, #tpu.memory_space<hbm>>
      tpu.wait_indirect_dma semaphore(%arg15 : memref<!tpu.dma_semaphore, #tpu.memory_space<semaphore_mem>>) src(%dma_wait3A_292 : memref<10240x128xf32, #tpu.memory_space<hbm>>) dst(%dma_wait3A_286 : memref<64x128xf32, #tpu.memory_space<vmem>>)
      %dma_start3A_293 = arith.constant 0 : i32
      %dma_start3A_294 = tpu.memref_slice %arg8[%add3A_245, %dma_start3A_293] : memref<40x128xi32, #tpu.memory_space<vmem>> -> memref<1x128xi32, #tpu.memory_space<vmem>>
      %dma_start3A_295 = tpu.memref_squeeze %dma_start3A_294 : memref<1x128xi32, #tpu.memory_space<vmem>> -> memref<128xi32, #tpu.memory_space<vmem>>
      %dma_start3A_296 = arith.constant 0 : i32
      %dma_start3A_297 = arith.constant 0 : i32
      %dma_start3A_298 = tpu.memref_slice %arg11[%dma_start3A_296, %dma_start3A_297] : memref<10240x128xf32, #tpu.memory_space<vmem_shared>> -> memref<10240x128xf32, #tpu.memory_space<vmem_shared>>
      tpu.enqueue_indirect_dma source(%arg10 : memref<128x128xf32, #tpu.memory_space<vmem>>) target(%dma_start3A_298 : memref<10240x128xf32, #tpu.memory_space<vmem_shared>>) offsets(%dma_start3A_295 : memref<128xi32, #tpu.memory_space<vmem>>) semaphore(%arg17 : memref<!tpu.dma_semaphore, #tpu.memory_space<semaphore_mem>>) {add = true}
      %dma_wait3A_299 = arith.constant 0 : i32
      %dma_wait3A_300 = arith.constant 0 : i32
      %dma_wait3A_301 = tpu.memref_slice %arg8[%dma_wait3A_299, %dma_wait3A_300] : memref<40x128xi32, #tpu.memory_space<vmem>> -> memref<1x128xi32, #tpu.memory_space<vmem>>
      %dma_wait3A_302 = tpu.memref_squeeze %dma_wait3A_301 : memref<1x128xi32, #tpu.memory_space<vmem>> -> memref<128xi32, #tpu.memory_space<vmem>>
      %dma_wait3A_303 = arith.constant 0 : i32
      %dma_wait3A_304 = arith.constant 0 : i32
      %dma_wait3A_305 = tpu.memref_slice %arg11[%dma_wait3A_303, %dma_wait3A_304] : memref<10240x128xf32, #tpu.memory_space<vmem_shared>> -> memref<10240x128xf32, #tpu.memory_space<vmem_shared>>
      tpu.wait_indirect_dma semaphore(%arg17 : memref<!tpu.dma_semaphore, #tpu.memory_space<semaphore_mem>>) src(%arg10 : memref<128x128xf32, #tpu.memory_space<vmem>>) dst(%dma_wait3A_305 : memref<10240x128xf32, #tpu.memory_space<vmem_shared>>)
      %add3A_306 = arith.constant 2 : i32
      %add3A_307 = arith.addi %add3A_245, %add3A_306 : i32
      %dma_start3A_308 = arith.constant 0 : i32
      %dma_start3A_309 = arith.constant 0 : i32
      %dma_start3A_310 = tpu.memref_slice %arg10[%dma_start3A_308, %dma_start3A_309] : memref<128x128xf32, #tpu.memory_space<vmem>> -> memref<64x128xf32, #tpu.memory_space<vmem>>
      %dma_start3A_311 = arith.constant 0 : i32
      %dma_start3A_312 = tpu.memref_slice %arg7[%add3A_307, %dma_start3A_311] : memref<40x128xi32, #tpu.memory_space<vmem>> -> memref<1x64xi32, #tpu.memory_space<vmem>>
      %dma_start3A_313 = tpu.memref_squeeze %dma_start3A_312 : memref<1x64xi32, #tpu.memory_space<vmem>> -> memref<64xi32, #tpu.memory_space<vmem>>
      %dma_start3A_314 = arith.constant 0 : i32
      %dma_start3A_315 = arith.constant 0 : i32
      %dma_start3A_316 = tpu.memref_slice %arg2[%dma_start3A_314, %dma_start3A_315] : memref<10240x128xf32, #tpu.memory_space<hbm>> -> memref<10240x128xf32, #tpu.memory_space<hbm>>
      tpu.enqueue_indirect_dma source(%dma_start3A_316 : memref<10240x128xf32, #tpu.memory_space<hbm>>) target(%dma_start3A_310 : memref<64x128xf32, #tpu.memory_space<vmem>>) offsets(%dma_start3A_313 : memref<64xi32, #tpu.memory_space<vmem>>) semaphore(%arg14 : memref<!tpu.dma_semaphore, #tpu.memory_space<semaphore_mem>>)
      %dma_start3A_317 = arith.constant 64 : i32
      %dma_start3A_318 = arith.constant 0 : i32
      %dma_start3A_319 = tpu.memref_slice %arg10[%dma_start3A_317, %dma_start3A_318] : memref<128x128xf32, #tpu.memory_space<vmem>> -> memref<64x128xf32, #tpu.memory_space<vmem>>
      %dma_start3A_320 = arith.constant 64 : i32
      %dma_start3A_321 = tpu.memref_slice %arg7[%add3A_307, %dma_start3A_320] : memref<40x128xi32, #tpu.memory_space<vmem>> -> memref<1x64xi32, #tpu.memory_space<vmem>>
      %dma_start3A_322 = tpu.memref_squeeze %dma_start3A_321 : memref<1x64xi32, #tpu.memory_space<vmem>> -> memref<64xi32, #tpu.memory_space<vmem>>
      %dma_start3A_323 = arith.constant 0 : i32
      %dma_start3A_324 = arith.constant 0 : i32
      %dma_start3A_325 = tpu.memref_slice %arg2[%dma_start3A_323, %dma_start3A_324] : memref<10240x128xf32, #tpu.memory_space<hbm>> -> memref<10240x128xf32, #tpu.memory_space<hbm>>
      tpu.enqueue_indirect_dma source(%dma_start3A_325 : memref<10240x128xf32, #tpu.memory_space<hbm>>) target(%dma_start3A_319 : memref<64x128xf32, #tpu.memory_space<vmem>>) offsets(%dma_start3A_322 : memref<64xi32, #tpu.memory_space<vmem>>) semaphore(%arg15 : memref<!tpu.dma_semaphore, #tpu.memory_space<semaphore_mem>>)
      %dma_wait3A_326 = arith.constant 0 : i32
      %dma_wait3A_327 = arith.constant 0 : i32
      %dma_wait3A_328 = arith.constant 0 : i32
      %dma_wait3A_329 = tpu.memref_slice %arg9[%dma_wait3A_327, %dma_wait3A_328] : memref<128x128xf32, #tpu.memory_space<vmem>> -> memref<64x128xf32, #tpu.memory_space<vmem>>
      %dma_wait3A_330 = arith.constant 0 : i32
      %dma_wait3A_331 = tpu.memref_slice %arg7[%dma_wait3A_326, %dma_wait3A_330] : memref<40x128xi32, #tpu.memory_space<vmem>> -> memref<1x64xi32, #tpu.memory_space<vmem>>
      %dma_wait3A_332 = tpu.memref_squeeze %dma_wait3A_331 : memref<1x64xi32, #tpu.memory_space<vmem>> -> memref<64xi32, #tpu.memory_space<vmem>>
      %dma_wait3A_333 = arith.constant 0 : i32
      %dma_wait3A_334 = arith.constant 0 : i32
      %dma_wait3A_335 = tpu.memref_slice %arg2[%dma_wait3A_333, %dma_wait3A_334] : memref<10240x128xf32, #tpu.memory_space<hbm>> -> memref<10240x128xf32, #tpu.memory_space<hbm>>
      tpu.wait_indirect_dma semaphore(%arg12 : memref<!tpu.dma_semaphore, #tpu.memory_space<semaphore_mem>>) src(%dma_wait3A_335 : memref<10240x128xf32, #tpu.memory_space<hbm>>) dst(%dma_wait3A_329 : memref<64x128xf32, #tpu.memory_space<vmem>>)
      %dma_wait3A_336 = arith.constant 0 : i32
      %dma_wait3A_337 = arith.constant 64 : i32
      %dma_wait3A_338 = arith.constant 0 : i32
      %dma_wait3A_339 = tpu.memref_slice %arg9[%dma_wait3A_337, %dma_wait3A_338] : memref<128x128xf32, #tpu.memory_space<vmem>> -> memref<64x128xf32, #tpu.memory_space<vmem>>
      %dma_wait3A_340 = arith.constant 0 : i32
      %dma_wait3A_341 = tpu.memref_slice %arg7[%dma_wait3A_336, %dma_wait3A_340] : memref<40x128xi32, #tpu.memory_space<vmem>> -> memref<1x64xi32, #tpu.memory_space<vmem>>
      %dma_wait3A_342 = tpu.memref_squeeze %dma_wait3A_341 : memref<1x64xi32, #tpu.memory_space<vmem>> -> memref<64xi32, #tpu.memory_space<vmem>>
      %dma_wait3A_343 = arith.constant 0 : i32
      %dma_wait3A_344 = arith.constant 0 : i32
      %dma_wait3A_345 = tpu.memref_slice %arg2[%dma_wait3A_343, %dma_wait3A_344] : memref<10240x128xf32, #tpu.memory_space<hbm>> -> memref<10240x128xf32, #tpu.memory_space<hbm>>
      tpu.wait_indirect_dma semaphore(%arg13 : memref<!tpu.dma_semaphore, #tpu.memory_space<semaphore_mem>>) src(%dma_wait3A_345 : memref<10240x128xf32, #tpu.memory_space<hbm>>) dst(%dma_wait3A_339 : memref<64x128xf32, #tpu.memory_space<vmem>>)
      %add3A_346 = arith.constant 1 : i32
      %add3A_347 = arith.addi %add3A_245, %add3A_346 : i32
      %dma_start3A_348 = arith.constant 0 : i32
      %dma_start3A_349 = tpu.memref_slice %arg8[%add3A_347, %dma_start3A_348] : memref<40x128xi32, #tpu.memory_space<vmem>> -> memref<1x128xi32, #tpu.memory_space<vmem>>
      %dma_start3A_350 = tpu.memref_squeeze %dma_start3A_349 : memref<1x128xi32, #tpu.memory_space<vmem>> -> memref<128xi32, #tpu.memory_space<vmem>>
      %dma_start3A_351 = arith.constant 0 : i32
      %dma_start3A_352 = arith.constant 0 : i32
      %dma_start3A_353 = tpu.memref_slice %arg11[%dma_start3A_351, %dma_start3A_352] : memref<10240x128xf32, #tpu.memory_space<vmem_shared>> -> memref<10240x128xf32, #tpu.memory_space<vmem_shared>>
      tpu.enqueue_indirect_dma source(%arg9 : memref<128x128xf32, #tpu.memory_space<vmem>>) target(%dma_start3A_353 : memref<10240x128xf32, #tpu.memory_space<vmem_shared>>) offsets(%dma_start3A_350 : memref<128xi32, #tpu.memory_space<vmem>>) semaphore(%arg16 : memref<!tpu.dma_semaphore, #tpu.memory_space<semaphore_mem>>) {add = true}
    }
    %scan3A_194 = arith.constant 19 : i32
    %dma_wait3A_195 = arith.constant 0 : i32
    %dma_wait3A_196 = arith.constant 0 : i32
    %dma_wait3A_197 = arith.constant 0 : i32
    %dma_wait3A_198 = tpu.memref_slice %arg10[%dma_wait3A_196, %dma_wait3A_197] : memref<128x128xf32, #tpu.memory_space<vmem>> -> memref<64x128xf32, #tpu.memory_space<vmem>>
    %dma_wait3A_199 = arith.constant 0 : i32
    %dma_wait3A_200 = tpu.memref_slice %arg7[%dma_wait3A_195, %dma_wait3A_199] : memref<40x128xi32, #tpu.memory_space<vmem>> -> memref<1x64xi32, #tpu.memory_space<vmem>>
    %dma_wait3A_201 = tpu.memref_squeeze %dma_wait3A_200 : memref<1x64xi32, #tpu.memory_space<vmem>> -> memref<64xi32, #tpu.memory_space<vmem>>
    %dma_wait3A_202 = arith.constant 0 : i32
    %dma_wait3A_203 = arith.constant 0 : i32
    %dma_wait3A_204 = tpu.memref_slice %arg2[%dma_wait3A_202, %dma_wait3A_203] : memref<10240x128xf32, #tpu.memory_space<hbm>> -> memref<10240x128xf32, #tpu.memory_space<hbm>>
    tpu.wait_indirect_dma semaphore(%arg14 : memref<!tpu.dma_semaphore, #tpu.memory_space<semaphore_mem>>) src(%dma_wait3A_204 : memref<10240x128xf32, #tpu.memory_space<hbm>>) dst(%dma_wait3A_198 : memref<64x128xf32, #tpu.memory_space<vmem>>)
    %dma_wait3A_205 = arith.constant 0 : i32
    %dma_wait3A_206 = arith.constant 64 : i32
    %dma_wait3A_207 = arith.constant 0 : i32
    %dma_wait3A_208 = tpu.memref_slice %arg10[%dma_wait3A_206, %dma_wait3A_207] : memref<128x128xf32, #tpu.memory_space<vmem>> -> memref<64x128xf32, #tpu.memory_space<vmem>>
    %dma_wait3A_209 = arith.constant 0 : i32
    %dma_wait3A_210 = tpu.memref_slice %arg7[%dma_wait3A_205, %dma_wait3A_209] : memref<40x128xi32, #tpu.memory_space<vmem>> -> memref<1x64xi32, #tpu.memory_space<vmem>>
    %dma_wait3A_211 = tpu.memref_squeeze %dma_wait3A_210 : memref<1x64xi32, #tpu.memory_space<vmem>> -> memref<64xi32, #tpu.memory_space<vmem>>
    %dma_wait3A_212 = arith.constant 0 : i32
    %dma_wait3A_213 = arith.constant 0 : i32
    %dma_wait3A_214 = tpu.memref_slice %arg2[%dma_wait3A_212, %dma_wait3A_213] : memref<10240x128xf32, #tpu.memory_space<hbm>> -> memref<10240x128xf32, #tpu.memory_space<hbm>>
    tpu.wait_indirect_dma semaphore(%arg15 : memref<!tpu.dma_semaphore, #tpu.memory_space<semaphore_mem>>) src(%dma_wait3A_214 : memref<10240x128xf32, #tpu.memory_space<hbm>>) dst(%dma_wait3A_208 : memref<64x128xf32, #tpu.memory_space<vmem>>)
    %dma_start3A_215 = arith.constant 39 : i32
    %dma_start3A_216 = arith.constant 0 : i32
    %dma_start3A_217 = tpu.memref_slice %arg8[%dma_start3A_215, %dma_start3A_216] : memref<40x128xi32, #tpu.memory_space<vmem>> -> memref<1x128xi32, #tpu.memory_space<vmem>>
    %dma_start3A_218 = tpu.memref_squeeze %dma_start3A_217 : memref<1x128xi32, #tpu.memory_space<vmem>> -> memref<128xi32, #tpu.memory_space<vmem>>
    %dma_start3A_219 = arith.constant 0 : i32
    %dma_start3A_220 = arith.constant 0 : i32
    %dma_start3A_221 = tpu.memref_slice %arg11[%dma_start3A_219, %dma_start3A_220] : memref<10240x128xf32, #tpu.memory_space<vmem_shared>> -> memref<10240x128xf32, #tpu.memory_space<vmem_shared>>
    tpu.enqueue_indirect_dma source(%arg10 : memref<128x128xf32, #tpu.memory_space<vmem>>) target(%dma_start3A_221 : memref<10240x128xf32, #tpu.memory_space<vmem_shared>>) offsets(%dma_start3A_218 : memref<128xi32, #tpu.memory_space<vmem>>) semaphore(%arg17 : memref<!tpu.dma_semaphore, #tpu.memory_space<semaphore_mem>>) {add = true}
    %dma_wait3A_222 = arith.constant 0 : i32
    %dma_wait3A_223 = arith.constant 0 : i32
    %dma_wait3A_224 = tpu.memref_slice %arg8[%dma_wait3A_222, %dma_wait3A_223] : memref<40x128xi32, #tpu.memory_space<vmem>> -> memref<1x128xi32, #tpu.memory_space<vmem>>
    %dma_wait3A_225 = tpu.memref_squeeze %dma_wait3A_224 : memref<1x128xi32, #tpu.memory_space<vmem>> -> memref<128xi32, #tpu.memory_space<vmem>>
    %dma_wait3A_226 = arith.constant 0 : i32
    %dma_wait3A_227 = arith.constant 0 : i32
    %dma_wait3A_228 = tpu.memref_slice %arg11[%dma_wait3A_226, %dma_wait3A_227] : memref<10240x128xf32, #tpu.memory_space<vmem_shared>> -> memref<10240x128xf32, #tpu.memory_space<vmem_shared>>
    tpu.wait_indirect_dma semaphore(%arg16 : memref<!tpu.dma_semaphore, #tpu.memory_space<semaphore_mem>>) src(%arg9 : memref<128x128xf32, #tpu.memory_space<vmem>>) dst(%dma_wait3A_228 : memref<10240x128xf32, #tpu.memory_space<vmem_shared>>)
    %dma_wait3A_229 = arith.constant 0 : i32
    %dma_wait3A_230 = arith.constant 0 : i32
    %dma_wait3A_231 = tpu.memref_slice %arg8[%dma_wait3A_229, %dma_wait3A_230] : memref<40x128xi32, #tpu.memory_space<vmem>> -> memref<1x128xi32, #tpu.memory_space<vmem>>
    %dma_wait3A_232 = tpu.memref_squeeze %dma_wait3A_231 : memref<1x128xi32, #tpu.memory_space<vmem>> -> memref<128xi32, #tpu.memory_space<vmem>>
    %dma_wait3A_233 = arith.constant 0 : i32
    %dma_wait3A_234 = arith.constant 0 : i32
    %dma_wait3A_235 = tpu.memref_slice %arg11[%dma_wait3A_233, %dma_wait3A_234] : memref<10240x128xf32, #tpu.memory_space<vmem_shared>> -> memref<10240x128xf32, #tpu.memory_space<vmem_shared>>
    tpu.wait_indirect_dma semaphore(%arg17 : memref<!tpu.dma_semaphore, #tpu.memory_space<semaphore_mem>>) src(%arg10 : memref<128x128xf32, #tpu.memory_space<vmem>>) dst(%dma_wait3A_235 : memref<10240x128xf32, #tpu.memory_space<vmem_shared>>)
    %barrier3A_236 = arith.constant 0 : index
    tpu.barrier barrier_id(%barrier3A_236)
    "tpu.region"() ({
      %run_scoped3A = tpu.sem_alloc : memref<!tpu.dma_semaphore, #tpu.memory_space<semaphore_mem>>
      %dma_start3A_237 = arith.constant 0 : i32
      %dma_start3A_238 = tpu.memref_slice %arg6[%arg0, %mul3A_0, %dma_start3A_237] : memref<2x10240x128xf32, #tpu.memory_space<hbm>> -> memref<1x640x128xf32, #tpu.memory_space<hbm>>
      %dma_start3A_239 = tpu.memref_squeeze %dma_start3A_238 : memref<1x640x128xf32, #tpu.memory_space<hbm>> -> memref<640x128xf32, #tpu.memory_space<hbm>>
      %dma_start3A_240 = arith.constant 0 : i32
      %dma_start3A_241 = tpu.memref_slice %arg11[%mul3A_0, %dma_start3A_240] : memref<10240x128xf32, #tpu.memory_space<vmem_shared>> -> memref<640x128xf32, #tpu.memory_space<vmem_shared>>
      tpu.enqueue_dma source(%dma_start3A_241 : memref<640x128xf32, #tpu.memory_space<vmem_shared>>) target(%dma_start3A_239 : memref<640x128xf32, #tpu.memory_space<hbm>>) target_semaphore(%run_scoped3A : memref<!tpu.dma_semaphore, #tpu.memory_space<semaphore_mem>>)
      %dma_wait3A_242 = arith.constant 0 : i32
      %dma_wait3A_243 = tpu.memref_slice %arg6[%arg0, %mul3A_0, %dma_wait3A_242] : memref<2x10240x128xf32, #tpu.memory_space<hbm>> -> memref<1x640x128xf32, #tpu.memory_space<hbm>>
      %dma_wait3A_244 = tpu.memref_squeeze %dma_wait3A_243 : memref<1x640x128xf32, #tpu.memory_space<hbm>> -> memref<640x128xf32, #tpu.memory_space<hbm>>
      %dma_wait3A_245 = arith.constant 0 : i32
      %dma_wait3A_246 = tpu.memref_slice %arg11[%mul3A_0, %dma_wait3A_245] : memref<10240x128xf32, #tpu.memory_space<vmem_shared>> -> memref<640x128xf32, #tpu.memory_space<vmem_shared>>
      tpu.wait_dma2 semaphore(%run_scoped3A : memref<!tpu.dma_semaphore, #tpu.memory_space<semaphore_mem>>) src(%dma_wait3A_246 : memref<640x128xf32, #tpu.memory_space<vmem_shared>>) dst(%dma_wait3A_244 : memref<640x128xf32, #tpu.memory_space<hbm>>)
      tpu.yield
    }) : () -> ()
    return
  }
}

#map = affine_map<(d0, d1) -> (0, 0)>
#map1 = affine_map<(d0, d1) -> (0, 0, 0)>
module attributes {stable_mosaic.version = 14 : i64} {
  func.func @k(%arg0: i32, %arg1: i32, %arg2: memref<10240x128xf32, #tpu.memory_space<hbm>>, %arg3: memref<2560x128xi32, #tpu.memory_space<hbm>>, %arg4: memref<2560x128xi32, #tpu.memory_space<hbm>>, %arg5: memref<10240x128xf32, #tpu.memory_space<hbm>>, %arg6: memref<2x10240x128xf32, #tpu.memory_space<hbm>>, %arg7: memref<40x128xi32, #tpu.memory_space<vmem>>, %arg8: memref<40x128xi32, #tpu.memory_space<vmem>>, %arg9: memref<128x128xf32, #tpu.memory_space<vmem>>, %arg10: memref<128x128xf32, #tpu.memory_space<vmem>>, %arg11: memref<10240x128xf32, #tpu.memory_space<vmem_shared>>, %arg12: memref<!tpu.dma_semaphore, #tpu.memory_space<semaphore_mem>>, %arg13: memref<!tpu.dma_semaphore, #tpu.memory_space<semaphore_mem>>, %arg14: memref<!tpu.dma_semaphore, #tpu.memory_space<semaphore_mem>>, %arg15: memref<!tpu.dma_semaphore, #tpu.memory_space<semaphore_mem>>, %arg16: memref<!tpu.dma_semaphore, #tpu.memory_space<semaphore_mem>>, %arg17: memref<!tpu.dma_semaphore, #tpu.memory_space<semaphore_mem>>) attributes {dimension_semantics = [#tpu.dimension_semantics<core_parallel>, #tpu.dimension_semantics<subcore_parallel>], iteration_bounds = array<i64: 2, 16>, scalar_prefetch = 0 : i64, scratch_operands = 11 : i64, tpu.core_type = #tpu.core_type<sc_vector_subcore>, window_params = [{transform_indices = #map}, {transform_indices = #map}, {transform_indices = #map}, {transform_indices = #map}, {transform_indices = #map1}]} {
    %mul3A = arith.constant 640 : i32
    %mul3A_0 = arith.muli %arg1, %mul3A : i32
    "tpu.region"() ({
      %run_scoped3A = tpu.sem_alloc : memref<!tpu.dma_semaphore, #tpu.memory_space<semaphore_mem>>
      %dma_start3A_237 = arith.constant 0 : i32
      %dma_start3A_238 = tpu.memref_slice %arg11[%mul3A_0, %dma_start3A_237] : memref<10240x128xf32, #tpu.memory_space<vmem_shared>> -> memref<640x128xf32, #tpu.memory_space<vmem_shared>>
      %dma_start3A_239 = arith.constant 0 : i32
      %dma_start3A_240 = tpu.memref_slice %arg5[%mul3A_0, %dma_start3A_239] : memref<10240x128xf32, #tpu.memory_space<hbm>> -> memref<640x128xf32, #tpu.memory_space<hbm>>
      tpu.enqueue_dma source(%dma_start3A_240 : memref<640x128xf32, #tpu.memory_space<hbm>>) target(%dma_start3A_238 : memref<640x128xf32, #tpu.memory_space<vmem_shared>>) target_semaphore(%run_scoped3A : memref<!tpu.dma_semaphore, #tpu.memory_space<semaphore_mem>>)
      %dma_wait3A_241 = arith.constant 0 : i32
      %dma_wait3A_242 = tpu.memref_slice %arg11[%mul3A_0, %dma_wait3A_241] : memref<10240x128xf32, #tpu.memory_space<vmem_shared>> -> memref<640x128xf32, #tpu.memory_space<vmem_shared>>
      %dma_wait3A_243 = arith.constant 0 : i32
      %dma_wait3A_244 = tpu.memref_slice %arg5[%mul3A_0, %dma_wait3A_243] : memref<10240x128xf32, #tpu.memory_space<hbm>> -> memref<640x128xf32, #tpu.memory_space<hbm>>
      tpu.wait_dma2 semaphore(%run_scoped3A : memref<!tpu.dma_semaphore, #tpu.memory_space<semaphore_mem>>) src(%dma_wait3A_244 : memref<640x128xf32, #tpu.memory_space<hbm>>) dst(%dma_wait3A_242 : memref<640x128xf32, #tpu.memory_space<vmem_shared>>)
      tpu.yield
    }) : () -> ()
    %mul3A_1 = arith.constant 16 : i32
    %mul3A_2 = arith.muli %arg0, %mul3A_1 : i32
    %add3A = arith.addi %mul3A_2, %arg1 : i32
    %mul3A_3 = arith.constant 80 : i32
    %mul3A_4 = arith.muli %add3A, %mul3A_3 : i32
    %add3A_5 = arith.constant 0 : i32
    %add3A_6 = arith.addi %mul3A_4, %add3A_5 : i32
    "tpu.region"() ({
      %run_scoped3A = tpu.sem_alloc : memref<!tpu.dma_semaphore, #tpu.memory_space<semaphore_mem>>
      %dma_start3A_237 = arith.constant 0 : i32
      %dma_start3A_238 = tpu.memref_slice %arg3[%add3A_6, %dma_start3A_237] : memref<2560x128xi32, #tpu.memory_space<hbm>> -> memref<40x128xi32, #tpu.memory_space<hbm>>
      %dma_start3A_239 = arith.constant 0 : i32
      %dma_start3A_240 = tpu.memref_slice %arg3[%add3A_6, %dma_start3A_239] : memref<2560x128xi32, #tpu.memory_space<hbm>> -> memref<40x128xi32, #tpu.memory_space<hbm>>
      tpu.enqueue_dma source(%dma_start3A_240 : memref<40x128xi32, #tpu.memory_space<hbm>>) target(%arg7 : memref<40x128xi32, #tpu.memory_space<vmem>>) target_semaphore(%run_scoped3A : memref<!tpu.dma_semaphore, #tpu.memory_space<semaphore_mem>>)
      %dma_wait3A_241 = arith.constant 0 : i32
      %dma_wait3A_242 = tpu.memref_slice %arg3[%add3A_6, %dma_wait3A_241] : memref<2560x128xi32, #tpu.memory_space<hbm>> -> memref<40x128xi32, #tpu.memory_space<hbm>>
      %dma_wait3A_243 = arith.constant 0 : i32
      %dma_wait3A_244 = tpu.memref_slice %arg3[%add3A_6, %dma_wait3A_243] : memref<2560x128xi32, #tpu.memory_space<hbm>> -> memref<40x128xi32, #tpu.memory_space<hbm>>
      tpu.wait_dma2 semaphore(%run_scoped3A : memref<!tpu.dma_semaphore, #tpu.memory_space<semaphore_mem>>) src(%dma_wait3A_244 : memref<40x128xi32, #tpu.memory_space<hbm>>) dst(%arg7 : memref<40x128xi32, #tpu.memory_space<vmem>>)
      tpu.yield
    }) : () -> ()
    %add3A_7 = arith.constant 0 : i32
    %add3A_8 = arith.addi %mul3A_4, %add3A_7 : i32
    "tpu.region"() ({
      %run_scoped3A = tpu.sem_alloc : memref<!tpu.dma_semaphore, #tpu.memory_space<semaphore_mem>>
      %dma_start3A_237 = arith.constant 0 : i32
      %dma_start3A_238 = tpu.memref_slice %arg4[%add3A_8, %dma_start3A_237] : memref<2560x128xi32, #tpu.memory_space<hbm>> -> memref<40x128xi32, #tpu.memory_space<hbm>>
      %dma_start3A_239 = arith.constant 0 : i32
      %dma_start3A_240 = tpu.memref_slice %arg4[%add3A_8, %dma_start3A_239] : memref<2560x128xi32, #tpu.memory_space<hbm>> -> memref<40x128xi32, #tpu.memory_space<hbm>>
      tpu.enqueue_dma source(%dma_start3A_240 : memref<40x128xi32, #tpu.memory_space<hbm>>) target(%arg8 : memref<40x128xi32, #tpu.memory_space<vmem>>) target_semaphore(%run_scoped3A : memref<!tpu.dma_semaphore, #tpu.memory_space<semaphore_mem>>)
      %dma_wait3A_241 = arith.constant 0 : i32
      %dma_wait3A_242 = tpu.memref_slice %arg4[%add3A_8, %dma_wait3A_241] : memref<2560x128xi32, #tpu.memory_space<hbm>> -> memref<40x128xi32, #tpu.memory_space<hbm>>
      %dma_wait3A_243 = arith.constant 0 : i32
      %dma_wait3A_244 = tpu.memref_slice %arg4[%add3A_8, %dma_wait3A_243] : memref<2560x128xi32, #tpu.memory_space<hbm>> -> memref<40x128xi32, #tpu.memory_space<hbm>>
      tpu.wait_dma2 semaphore(%run_scoped3A : memref<!tpu.dma_semaphore, #tpu.memory_space<semaphore_mem>>) src(%dma_wait3A_244 : memref<40x128xi32, #tpu.memory_space<hbm>>) dst(%arg8 : memref<40x128xi32, #tpu.memory_space<vmem>>)
      tpu.yield
    }) : () -> ()
    %barrier3A = arith.constant 0 : index
    tpu.barrier barrier_id(%barrier3A)
    %dma_start3A = arith.constant 0 : i32
    %dma_start3A_9 = arith.constant 0 : i32
    %dma_start3A_10 = arith.constant 0 : i32
    %dma_start3A_11 = tpu.memref_slice %arg9[%dma_start3A_9, %dma_start3A_10] : memref<128x128xf32, #tpu.memory_space<vmem>> -> memref<64x128xf32, #tpu.memory_space<vmem>>
    %dma_start3A_12 = arith.constant 0 : i32
    %dma_start3A_13 = tpu.memref_slice %arg7[%dma_start3A, %dma_start3A_12] : memref<40x128xi32, #tpu.memory_space<vmem>> -> memref<1x64xi32, #tpu.memory_space<vmem>>
    %dma_start3A_14 = tpu.memref_squeeze %dma_start3A_13 : memref<1x64xi32, #tpu.memory_space<vmem>> -> memref<64xi32, #tpu.memory_space<vmem>>
    %dma_start3A_15 = arith.constant 0 : i32
    %dma_start3A_16 = arith.constant 0 : i32
    %dma_start3A_17 = tpu.memref_slice %arg2[%dma_start3A_15, %dma_start3A_16] : memref<10240x128xf32, #tpu.memory_space<hbm>> -> memref<10240x128xf32, #tpu.memory_space<hbm>>
    tpu.enqueue_indirect_dma source(%dma_start3A_17 : memref<10240x128xf32, #tpu.memory_space<hbm>>) target(%dma_start3A_11 : memref<64x128xf32, #tpu.memory_space<vmem>>) offsets(%dma_start3A_14 : memref<64xi32, #tpu.memory_space<vmem>>) semaphore(%arg12 : memref<!tpu.dma_semaphore, #tpu.memory_space<semaphore_mem>>)
    %dma_start3A_18 = arith.constant 0 : i32
    %dma_start3A_19 = arith.constant 64 : i32
    %dma_start3A_20 = arith.constant 0 : i32
    %dma_start3A_21 = tpu.memref_slice %arg9[%dma_start3A_19, %dma_start3A_20] : memref<128x128xf32, #tpu.memory_space<vmem>> -> memref<64x128xf32, #tpu.memory_space<vmem>>
    %dma_start3A_22 = arith.constant 64 : i32
    %dma_start3A_23 = tpu.memref_slice %arg7[%dma_start3A_18, %dma_start3A_22] : memref<40x128xi32, #tpu.memory_space<vmem>> -> memref<1x64xi32, #tpu.memory_space<vmem>>
    %dma_start3A_24 = tpu.memref_squeeze %dma_start3A_23 : memref<1x64xi32, #tpu.memory_space<vmem>> -> memref<64xi32, #tpu.memory_space<vmem>>
    %dma_start3A_25 = arith.constant 0 : i32
    %dma_start3A_26 = arith.constant 0 : i32
    %dma_start3A_27 = tpu.memref_slice %arg2[%dma_start3A_25, %dma_start3A_26] : memref<10240x128xf32, #tpu.memory_space<hbm>> -> memref<10240x128xf32, #tpu.memory_space<hbm>>
    tpu.enqueue_indirect_dma source(%dma_start3A_27 : memref<10240x128xf32, #tpu.memory_space<hbm>>) target(%dma_start3A_21 : memref<64x128xf32, #tpu.memory_space<vmem>>) offsets(%dma_start3A_24 : memref<64xi32, #tpu.memory_space<vmem>>) semaphore(%arg13 : memref<!tpu.dma_semaphore, #tpu.memory_space<semaphore_mem>>)
    %dma_start3A_28 = arith.constant 1 : i32
    %dma_start3A_29 = arith.constant 0 : i32
    %dma_start3A_30 = arith.constant 0 : i32
    %dma_start3A_31 = tpu.memref_slice %arg10[%dma_start3A_29, %dma_start3A_30] : memref<128x128xf32, #tpu.memory_space<vmem>> -> memref<64x128xf32, #tpu.memory_space<vmem>>
    %dma_start3A_32 = arith.constant 0 : i32
    %dma_start3A_33 = tpu.memref_slice %arg7[%dma_start3A_28, %dma_start3A_32] : memref<40x128xi32, #tpu.memory_space<vmem>> -> memref<1x64xi32, #tpu.memory_space<vmem>>
    %dma_start3A_34 = tpu.memref_squeeze %dma_start3A_33 : memref<1x64xi32, #tpu.memory_space<vmem>> -> memref<64xi32, #tpu.memory_space<vmem>>
    %dma_start3A_35 = arith.constant 0 : i32
    %dma_start3A_36 = arith.constant 0 : i32
    %dma_start3A_37 = tpu.memref_slice %arg2[%dma_start3A_35, %dma_start3A_36] : memref<10240x128xf32, #tpu.memory_space<hbm>> -> memref<10240x128xf32, #tpu.memory_space<hbm>>
    tpu.enqueue_indirect_dma source(%dma_start3A_37 : memref<10240x128xf32, #tpu.memory_space<hbm>>) target(%dma_start3A_31 : memref<64x128xf32, #tpu.memory_space<vmem>>) offsets(%dma_start3A_34 : memref<64xi32, #tpu.memory_space<vmem>>) semaphore(%arg14 : memref<!tpu.dma_semaphore, #tpu.memory_space<semaphore_mem>>)
    %dma_start3A_38 = arith.constant 1 : i32
    %dma_start3A_39 = arith.constant 64 : i32
    %dma_start3A_40 = arith.constant 0 : i32
    %dma_start3A_41 = tpu.memref_slice %arg10[%dma_start3A_39, %dma_start3A_40] : memref<128x128xf32, #tpu.memory_space<vmem>> -> memref<64x128xf32, #tpu.memory_space<vmem>>
    %dma_start3A_42 = arith.constant 64 : i32
    %dma_start3A_43 = tpu.memref_slice %arg7[%dma_start3A_38, %dma_start3A_42] : memref<40x128xi32, #tpu.memory_space<vmem>> -> memref<1x64xi32, #tpu.memory_space<vmem>>
    %dma_start3A_44 = tpu.memref_squeeze %dma_start3A_43 : memref<1x64xi32, #tpu.memory_space<vmem>> -> memref<64xi32, #tpu.memory_space<vmem>>
    %dma_start3A_45 = arith.constant 0 : i32
    %dma_start3A_46 = arith.constant 0 : i32
    %dma_start3A_47 = tpu.memref_slice %arg2[%dma_start3A_45, %dma_start3A_46] : memref<10240x128xf32, #tpu.memory_space<hbm>> -> memref<10240x128xf32, #tpu.memory_space<hbm>>
    tpu.enqueue_indirect_dma source(%dma_start3A_47 : memref<10240x128xf32, #tpu.memory_space<hbm>>) target(%dma_start3A_41 : memref<64x128xf32, #tpu.memory_space<vmem>>) offsets(%dma_start3A_44 : memref<64xi32, #tpu.memory_space<vmem>>) semaphore(%arg15 : memref<!tpu.dma_semaphore, #tpu.memory_space<semaphore_mem>>)
    %dma_wait3A = arith.constant 0 : i32
    %dma_wait3A_48 = arith.constant 0 : i32
    %dma_wait3A_49 = arith.constant 0 : i32
    %dma_wait3A_50 = tpu.memref_slice %arg9[%dma_wait3A_48, %dma_wait3A_49] : memref<128x128xf32, #tpu.memory_space<vmem>> -> memref<64x128xf32, #tpu.memory_space<vmem>>
    %dma_wait3A_51 = arith.constant 0 : i32
    %dma_wait3A_52 = tpu.memref_slice %arg7[%dma_wait3A, %dma_wait3A_51] : memref<40x128xi32, #tpu.memory_space<vmem>> -> memref<1x64xi32, #tpu.memory_space<vmem>>
    %dma_wait3A_53 = tpu.memref_squeeze %dma_wait3A_52 : memref<1x64xi32, #tpu.memory_space<vmem>> -> memref<64xi32, #tpu.memory_space<vmem>>
    %dma_wait3A_54 = arith.constant 0 : i32
    %dma_wait3A_55 = arith.constant 0 : i32
    %dma_wait3A_56 = tpu.memref_slice %arg2[%dma_wait3A_54, %dma_wait3A_55] : memref<10240x128xf32, #tpu.memory_space<hbm>> -> memref<10240x128xf32, #tpu.memory_space<hbm>>
    tpu.wait_indirect_dma semaphore(%arg12 : memref<!tpu.dma_semaphore, #tpu.memory_space<semaphore_mem>>) src(%dma_wait3A_56 : memref<10240x128xf32, #tpu.memory_space<hbm>>) dst(%dma_wait3A_50 : memref<64x128xf32, #tpu.memory_space<vmem>>)
    %dma_wait3A_57 = arith.constant 0 : i32
    %dma_wait3A_58 = arith.constant 64 : i32
    %dma_wait3A_59 = arith.constant 0 : i32
    %dma_wait3A_60 = tpu.memref_slice %arg9[%dma_wait3A_58, %dma_wait3A_59] : memref<128x128xf32, #tpu.memory_space<vmem>> -> memref<64x128xf32, #tpu.memory_space<vmem>>
    %dma_wait3A_61 = arith.constant 0 : i32
    %dma_wait3A_62 = tpu.memref_slice %arg7[%dma_wait3A_57, %dma_wait3A_61] : memref<40x128xi32, #tpu.memory_space<vmem>> -> memref<1x64xi32, #tpu.memory_space<vmem>>
    %dma_wait3A_63 = tpu.memref_squeeze %dma_wait3A_62 : memref<1x64xi32, #tpu.memory_space<vmem>> -> memref<64xi32, #tpu.memory_space<vmem>>
    %dma_wait3A_64 = arith.constant 0 : i32
    %dma_wait3A_65 = arith.constant 0 : i32
    %dma_wait3A_66 = tpu.memref_slice %arg2[%dma_wait3A_64, %dma_wait3A_65] : memref<10240x128xf32, #tpu.memory_space<hbm>> -> memref<10240x128xf32, #tpu.memory_space<hbm>>
    tpu.wait_indirect_dma semaphore(%arg13 : memref<!tpu.dma_semaphore, #tpu.memory_space<semaphore_mem>>) src(%dma_wait3A_66 : memref<10240x128xf32, #tpu.memory_space<hbm>>) dst(%dma_wait3A_60 : memref<64x128xf32, #tpu.memory_space<vmem>>)
    %dma_start3A_67 = arith.constant 0 : i32
    %dma_start3A_68 = arith.constant 0 : i32
    %dma_start3A_69 = tpu.memref_slice %arg8[%dma_start3A_67, %dma_start3A_68] : memref<40x128xi32, #tpu.memory_space<vmem>> -> memref<1x128xi32, #tpu.memory_space<vmem>>
    %dma_start3A_70 = tpu.memref_squeeze %dma_start3A_69 : memref<1x128xi32, #tpu.memory_space<vmem>> -> memref<128xi32, #tpu.memory_space<vmem>>
    %dma_start3A_71 = arith.constant 0 : i32
    %dma_start3A_72 = arith.constant 0 : i32
    %dma_start3A_73 = tpu.memref_slice %arg11[%dma_start3A_71, %dma_start3A_72] : memref<10240x128xf32, #tpu.memory_space<vmem_shared>> -> memref<10240x128xf32, #tpu.memory_space<vmem_shared>>
    tpu.enqueue_indirect_dma source(%arg9 : memref<128x128xf32, #tpu.memory_space<vmem>>) target(%dma_start3A_73 : memref<10240x128xf32, #tpu.memory_space<vmem_shared>>) offsets(%dma_start3A_70 : memref<128xi32, #tpu.memory_space<vmem>>) semaphore(%arg16 : memref<!tpu.dma_semaphore, #tpu.memory_space<semaphore_mem>>) {add = true}
    %scan3A = arith.constant 0 : i32
    %scan3A_74 = arith.constant 19 : i32
    %scan3A_75 = arith.addi %scan3A, %scan3A_74 : i32
    %scan3A_76 = arith.constant 1 : i32
    scf.for %scan3A_237 = %scan3A to %scan3A_75 step %scan3A_76  : i32 {
      %mul3A_238 = arith.constant 1 : i32
      %mul3A_239 = arith.muli %scan3A_237, %mul3A_238 : i32
      %add3A_240 = arith.constant 0 : i32
      %add3A_241 = arith.addi %add3A_240, %mul3A_239 : i32
      %mul3A_242 = arith.constant 2 : i32
      %mul3A_243 = arith.muli %mul3A_242, %add3A_241 : i32
      %add3A_244 = arith.constant 1 : i32
      %add3A_245 = arith.addi %mul3A_243, %add3A_244 : i32
      %dma_wait3A_246 = arith.constant 0 : i32
      %dma_wait3A_247 = arith.constant 0 : i32
      %dma_wait3A_248 = tpu.memref_slice %arg8[%dma_wait3A_246, %dma_wait3A_247] : memref<40x128xi32, #tpu.memory_space<vmem>> -> memref<1x128xi32, #tpu.memory_space<vmem>>
      %dma_wait3A_249 = tpu.memref_squeeze %dma_wait3A_248 : memref<1x128xi32, #tpu.memory_space<vmem>> -> memref<128xi32, #tpu.memory_space<vmem>>
      %dma_wait3A_250 = arith.constant 0 : i32
      %dma_wait3A_251 = arith.constant 0 : i32
      %dma_wait3A_252 = tpu.memref_slice %arg11[%dma_wait3A_250, %dma_wait3A_251] : memref<10240x128xf32, #tpu.memory_space<vmem_shared>> -> memref<10240x128xf32, #tpu.memory_space<vmem_shared>>
      tpu.wait_indirect_dma semaphore(%arg16 : memref<!tpu.dma_semaphore, #tpu.memory_space<semaphore_mem>>) src(%arg9 : memref<128x128xf32, #tpu.memory_space<vmem>>) dst(%dma_wait3A_252 : memref<10240x128xf32, #tpu.memory_space<vmem_shared>>)
      %add3A_253 = arith.constant 1 : i32
      %add3A_254 = arith.addi %add3A_245, %add3A_253 : i32
      %dma_start3A_255 = arith.constant 0 : i32
      %dma_start3A_256 = arith.constant 0 : i32
      %dma_start3A_257 = tpu.memref_slice %arg9[%dma_start3A_255, %dma_start3A_256] : memref<128x128xf32, #tpu.memory_space<vmem>> -> memref<64x128xf32, #tpu.memory_space<vmem>>
      %dma_start3A_258 = arith.constant 0 : i32
      %dma_start3A_259 = tpu.memref_slice %arg7[%add3A_254, %dma_start3A_258] : memref<40x128xi32, #tpu.memory_space<vmem>> -> memref<1x64xi32, #tpu.memory_space<vmem>>
      %dma_start3A_260 = tpu.memref_squeeze %dma_start3A_259 : memref<1x64xi32, #tpu.memory_space<vmem>> -> memref<64xi32, #tpu.memory_space<vmem>>
      %dma_start3A_261 = arith.constant 0 : i32
      %dma_start3A_262 = arith.constant 0 : i32
      %dma_start3A_263 = tpu.memref_slice %arg2[%dma_start3A_261, %dma_start3A_262] : memref<10240x128xf32, #tpu.memory_space<hbm>> -> memref<10240x128xf32, #tpu.memory_space<hbm>>
      tpu.enqueue_indirect_dma source(%dma_start3A_263 : memref<10240x128xf32, #tpu.memory_space<hbm>>) target(%dma_start3A_257 : memref<64x128xf32, #tpu.memory_space<vmem>>) offsets(%dma_start3A_260 : memref<64xi32, #tpu.memory_space<vmem>>) semaphore(%arg12 : memref<!tpu.dma_semaphore, #tpu.memory_space<semaphore_mem>>)
      %dma_start3A_264 = arith.constant 64 : i32
      %dma_start3A_265 = arith.constant 0 : i32
      %dma_start3A_266 = tpu.memref_slice %arg9[%dma_start3A_264, %dma_start3A_265] : memref<128x128xf32, #tpu.memory_space<vmem>> -> memref<64x128xf32, #tpu.memory_space<vmem>>
      %dma_start3A_267 = arith.constant 64 : i32
      %dma_start3A_268 = tpu.memref_slice %arg7[%add3A_254, %dma_start3A_267] : memref<40x128xi32, #tpu.memory_space<vmem>> -> memref<1x64xi32, #tpu.memory_space<vmem>>
      %dma_start3A_269 = tpu.memref_squeeze %dma_start3A_268 : memref<1x64xi32, #tpu.memory_space<vmem>> -> memref<64xi32, #tpu.memory_space<vmem>>
      %dma_start3A_270 = arith.constant 0 : i32
      %dma_start3A_271 = arith.constant 0 : i32
      %dma_start3A_272 = tpu.memref_slice %arg2[%dma_start3A_270, %dma_start3A_271] : memref<10240x128xf32, #tpu.memory_space<hbm>> -> memref<10240x128xf32, #tpu.memory_space<hbm>>
      tpu.enqueue_indirect_dma source(%dma_start3A_272 : memref<10240x128xf32, #tpu.memory_space<hbm>>) target(%dma_start3A_266 : memref<64x128xf32, #tpu.memory_space<vmem>>) offsets(%dma_start3A_269 : memref<64xi32, #tpu.memory_space<vmem>>) semaphore(%arg13 : memref<!tpu.dma_semaphore, #tpu.memory_space<semaphore_mem>>)
      %dma_wait3A_273 = arith.constant 0 : i32
      %dma_wait3A_274 = arith.constant 0 : i32
      %dma_wait3A_275 = arith.constant 0 : i32
      %dma_wait3A_276 = tpu.memref_slice %arg10[%dma_wait3A_274, %dma_wait3A_275] : memref<128x128xf32, #tpu.memory_space<vmem>> -> memref<64x128xf32, #tpu.memory_space<vmem>>
      %dma_wait3A_277 = arith.constant 0 : i32
      %dma_wait3A_278 = tpu.memref_slice %arg7[%dma_wait3A_273, %dma_wait3A_277] : memref<40x128xi32, #tpu.memory_space<vmem>> -> memref<1x64xi32, #tpu.memory_space<vmem>>
      %dma_wait3A_279 = tpu.memref_squeeze %dma_wait3A_278 : memref<1x64xi32, #tpu.memory_space<vmem>> -> memref<64xi32, #tpu.memory_space<vmem>>
      %dma_wait3A_280 = arith.constant 0 : i32
      %dma_wait3A_281 = arith.constant 0 : i32
      %dma_wait3A_282 = tpu.memref_slice %arg2[%dma_wait3A_280, %dma_wait3A_281] : memref<10240x128xf32, #tpu.memory_space<hbm>> -> memref<10240x128xf32, #tpu.memory_space<hbm>>
      tpu.wait_indirect_dma semaphore(%arg14 : memref<!tpu.dma_semaphore, #tpu.memory_space<semaphore_mem>>) src(%dma_wait3A_282 : memref<10240x128xf32, #tpu.memory_space<hbm>>) dst(%dma_wait3A_276 : memref<64x128xf32, #tpu.memory_space<vmem>>)
      %dma_wait3A_283 = arith.constant 0 : i32
      %dma_wait3A_284 = arith.constant 64 : i32
      %dma_wait3A_285 = arith.constant 0 : i32
      %dma_wait3A_286 = tpu.memref_slice %arg10[%dma_wait3A_284, %dma_wait3A_285] : memref<128x128xf32, #tpu.memory_space<vmem>> -> memref<64x128xf32, #tpu.memory_space<vmem>>
      %dma_wait3A_287 = arith.constant 0 : i32
      %dma_wait3A_288 = tpu.memref_slice %arg7[%dma_wait3A_283, %dma_wait3A_287] : memref<40x128xi32, #tpu.memory_space<vmem>> -> memref<1x64xi32, #tpu.memory_space<vmem>>
      %dma_wait3A_289 = tpu.memref_squeeze %dma_wait3A_288 : memref<1x64xi32, #tpu.memory_space<vmem>> -> memref<64xi32, #tpu.memory_space<vmem>>
      %dma_wait3A_290 = arith.constant 0 : i32
      %dma_wait3A_291 = arith.constant 0 : i32
      %dma_wait3A_292 = tpu.memref_slice %arg2[%dma_wait3A_290, %dma_wait3A_291] : memref<10240x128xf32, #tpu.memory_space<hbm>> -> memref<10240x128xf32, #tpu.memory_space<hbm>>
      tpu.wait_indirect_dma semaphore(%arg15 : memref<!tpu.dma_semaphore, #tpu.memory_space<semaphore_mem>>) src(%dma_wait3A_292 : memref<10240x128xf32, #tpu.memory_space<hbm>>) dst(%dma_wait3A_286 : memref<64x128xf32, #tpu.memory_space<vmem>>)
      %dma_start3A_293 = arith.constant 0 : i32
      %dma_start3A_294 = tpu.memref_slice %arg8[%add3A_245, %dma_start3A_293] : memref<40x128xi32, #tpu.memory_space<vmem>> -> memref<1x128xi32, #tpu.memory_space<vmem>>
      %dma_start3A_295 = tpu.memref_squeeze %dma_start3A_294 : memref<1x128xi32, #tpu.memory_space<vmem>> -> memref<128xi32, #tpu.memory_space<vmem>>
      %dma_start3A_296 = arith.constant 0 : i32
      %dma_start3A_297 = arith.constant 0 : i32
      %dma_start3A_298 = tpu.memref_slice %arg11[%dma_start3A_296, %dma_start3A_297] : memref<10240x128xf32, #tpu.memory_space<vmem_shared>> -> memref<10240x128xf32, #tpu.memory_space<vmem_shared>>
      tpu.enqueue_indirect_dma source(%arg10 : memref<128x128xf32, #tpu.memory_space<vmem>>) target(%dma_start3A_298 : memref<10240x128xf32, #tpu.memory_space<vmem_shared>>) offsets(%dma_start3A_295 : memref<128xi32, #tpu.memory_space<vmem>>) semaphore(%arg17 : memref<!tpu.dma_semaphore, #tpu.memory_space<semaphore_mem>>) {add = true}
      %dma_wait3A_299 = arith.constant 0 : i32
      %dma_wait3A_300 = arith.constant 0 : i32
      %dma_wait3A_301 = tpu.memref_slice %arg8[%dma_wait3A_299, %dma_wait3A_300] : memref<40x128xi32, #tpu.memory_space<vmem>> -> memref<1x128xi32, #tpu.memory_space<vmem>>
      %dma_wait3A_302 = tpu.memref_squeeze %dma_wait3A_301 : memref<1x128xi32, #tpu.memory_space<vmem>> -> memref<128xi32, #tpu.memory_space<vmem>>
      %dma_wait3A_303 = arith.constant 0 : i32
      %dma_wait3A_304 = arith.constant 0 : i32
      %dma_wait3A_305 = tpu.memref_slice %arg11[%dma_wait3A_303, %dma_wait3A_304] : memref<10240x128xf32, #tpu.memory_space<vmem_shared>> -> memref<10240x128xf32, #tpu.memory_space<vmem_shared>>
      tpu.wait_indirect_dma semaphore(%arg17 : memref<!tpu.dma_semaphore, #tpu.memory_space<semaphore_mem>>) src(%arg10 : memref<128x128xf32, #tpu.memory_space<vmem>>) dst(%dma_wait3A_305 : memref<10240x128xf32, #tpu.memory_space<vmem_shared>>)
      %add3A_306 = arith.constant 2 : i32
      %add3A_307 = arith.addi %add3A_245, %add3A_306 : i32
      %dma_start3A_308 = arith.constant 0 : i32
      %dma_start3A_309 = arith.constant 0 : i32
      %dma_start3A_310 = tpu.memref_slice %arg10[%dma_start3A_308, %dma_start3A_309] : memref<128x128xf32, #tpu.memory_space<vmem>> -> memref<64x128xf32, #tpu.memory_space<vmem>>
      %dma_start3A_311 = arith.constant 0 : i32
      %dma_start3A_312 = tpu.memref_slice %arg7[%add3A_307, %dma_start3A_311] : memref<40x128xi32, #tpu.memory_space<vmem>> -> memref<1x64xi32, #tpu.memory_space<vmem>>
      %dma_start3A_313 = tpu.memref_squeeze %dma_start3A_312 : memref<1x64xi32, #tpu.memory_space<vmem>> -> memref<64xi32, #tpu.memory_space<vmem>>
      %dma_start3A_314 = arith.constant 0 : i32
      %dma_start3A_315 = arith.constant 0 : i32
      %dma_start3A_316 = tpu.memref_slice %arg2[%dma_start3A_314, %dma_start3A_315] : memref<10240x128xf32, #tpu.memory_space<hbm>> -> memref<10240x128xf32, #tpu.memory_space<hbm>>
      tpu.enqueue_indirect_dma source(%dma_start3A_316 : memref<10240x128xf32, #tpu.memory_space<hbm>>) target(%dma_start3A_310 : memref<64x128xf32, #tpu.memory_space<vmem>>) offsets(%dma_start3A_313 : memref<64xi32, #tpu.memory_space<vmem>>) semaphore(%arg14 : memref<!tpu.dma_semaphore, #tpu.memory_space<semaphore_mem>>)
      %dma_start3A_317 = arith.constant 64 : i32
      %dma_start3A_318 = arith.constant 0 : i32
      %dma_start3A_319 = tpu.memref_slice %arg10[%dma_start3A_317, %dma_start3A_318] : memref<128x128xf32, #tpu.memory_space<vmem>> -> memref<64x128xf32, #tpu.memory_space<vmem>>
      %dma_start3A_320 = arith.constant 64 : i32
      %dma_start3A_321 = tpu.memref_slice %arg7[%add3A_307, %dma_start3A_320] : memref<40x128xi32, #tpu.memory_space<vmem>> -> memref<1x64xi32, #tpu.memory_space<vmem>>
      %dma_start3A_322 = tpu.memref_squeeze %dma_start3A_321 : memref<1x64xi32, #tpu.memory_space<vmem>> -> memref<64xi32, #tpu.memory_space<vmem>>
      %dma_start3A_323 = arith.constant 0 : i32
      %dma_start3A_324 = arith.constant 0 : i32
      %dma_start3A_325 = tpu.memref_slice %arg2[%dma_start3A_323, %dma_start3A_324] : memref<10240x128xf32, #tpu.memory_space<hbm>> -> memref<10240x128xf32, #tpu.memory_space<hbm>>
      tpu.enqueue_indirect_dma source(%dma_start3A_325 : memref<10240x128xf32, #tpu.memory_space<hbm>>) target(%dma_start3A_319 : memref<64x128xf32, #tpu.memory_space<vmem>>) offsets(%dma_start3A_322 : memref<64xi32, #tpu.memory_space<vmem>>) semaphore(%arg15 : memref<!tpu.dma_semaphore, #tpu.memory_space<semaphore_mem>>)
      %dma_wait3A_326 = arith.constant 0 : i32
      %dma_wait3A_327 = arith.constant 0 : i32
      %dma_wait3A_328 = arith.constant 0 : i32
      %dma_wait3A_329 = tpu.memref_slice %arg9[%dma_wait3A_327, %dma_wait3A_328] : memref<128x128xf32, #tpu.memory_space<vmem>> -> memref<64x128xf32, #tpu.memory_space<vmem>>
      %dma_wait3A_330 = arith.constant 0 : i32
      %dma_wait3A_331 = tpu.memref_slice %arg7[%dma_wait3A_326, %dma_wait3A_330] : memref<40x128xi32, #tpu.memory_space<vmem>> -> memref<1x64xi32, #tpu.memory_space<vmem>>
      %dma_wait3A_332 = tpu.memref_squeeze %dma_wait3A_331 : memref<1x64xi32, #tpu.memory_space<vmem>> -> memref<64xi32, #tpu.memory_space<vmem>>
      %dma_wait3A_333 = arith.constant 0 : i32
      %dma_wait3A_334 = arith.constant 0 : i32
      %dma_wait3A_335 = tpu.memref_slice %arg2[%dma_wait3A_333, %dma_wait3A_334] : memref<10240x128xf32, #tpu.memory_space<hbm>> -> memref<10240x128xf32, #tpu.memory_space<hbm>>
      tpu.wait_indirect_dma semaphore(%arg12 : memref<!tpu.dma_semaphore, #tpu.memory_space<semaphore_mem>>) src(%dma_wait3A_335 : memref<10240x128xf32, #tpu.memory_space<hbm>>) dst(%dma_wait3A_329 : memref<64x128xf32, #tpu.memory_space<vmem>>)
      %dma_wait3A_336 = arith.constant 0 : i32
      %dma_wait3A_337 = arith.constant 64 : i32
      %dma_wait3A_338 = arith.constant 0 : i32
      %dma_wait3A_339 = tpu.memref_slice %arg9[%dma_wait3A_337, %dma_wait3A_338] : memref<128x128xf32, #tpu.memory_space<vmem>> -> memref<64x128xf32, #tpu.memory_space<vmem>>
      %dma_wait3A_340 = arith.constant 0 : i32
      %dma_wait3A_341 = tpu.memref_slice %arg7[%dma_wait3A_336, %dma_wait3A_340] : memref<40x128xi32, #tpu.memory_space<vmem>> -> memref<1x64xi32, #tpu.memory_space<vmem>>
      %dma_wait3A_342 = tpu.memref_squeeze %dma_wait3A_341 : memref<1x64xi32, #tpu.memory_space<vmem>> -> memref<64xi32, #tpu.memory_space<vmem>>
      %dma_wait3A_343 = arith.constant 0 : i32
      %dma_wait3A_344 = arith.constant 0 : i32
      %dma_wait3A_345 = tpu.memref_slice %arg2[%dma_wait3A_343, %dma_wait3A_344] : memref<10240x128xf32, #tpu.memory_space<hbm>> -> memref<10240x128xf32, #tpu.memory_space<hbm>>
      tpu.wait_indirect_dma semaphore(%arg13 : memref<!tpu.dma_semaphore, #tpu.memory_space<semaphore_mem>>) src(%dma_wait3A_345 : memref<10240x128xf32, #tpu.memory_space<hbm>>) dst(%dma_wait3A_339 : memref<64x128xf32, #tpu.memory_space<vmem>>)
      %add3A_346 = arith.constant 1 : i32
      %add3A_347 = arith.addi %add3A_245, %add3A_346 : i32
      %dma_start3A_348 = arith.constant 0 : i32
      %dma_start3A_349 = tpu.memref_slice %arg8[%add3A_347, %dma_start3A_348] : memref<40x128xi32, #tpu.memory_space<vmem>> -> memref<1x128xi32, #tpu.memory_space<vmem>>
      %dma_start3A_350 = tpu.memref_squeeze %dma_start3A_349 : memref<1x128xi32, #tpu.memory_space<vmem>> -> memref<128xi32, #tpu.memory_space<vmem>>
      %dma_start3A_351 = arith.constant 0 : i32
      %dma_start3A_352 = arith.constant 0 : i32
      %dma_start3A_353 = tpu.memref_slice %arg11[%dma_start3A_351, %dma_start3A_352] : memref<10240x128xf32, #tpu.memory_space<vmem_shared>> -> memref<10240x128xf32, #tpu.memory_space<vmem_shared>>
      tpu.enqueue_indirect_dma source(%arg9 : memref<128x128xf32, #tpu.memory_space<vmem>>) target(%dma_start3A_353 : memref<10240x128xf32, #tpu.memory_space<vmem_shared>>) offsets(%dma_start3A_350 : memref<128xi32, #tpu.memory_space<vmem>>) semaphore(%arg16 : memref<!tpu.dma_semaphore, #tpu.memory_space<semaphore_mem>>) {add = true}
    }
    %scan3A_77 = arith.constant 19 : i32
    %dma_wait3A_78 = arith.constant 0 : i32
    %dma_wait3A_79 = arith.constant 0 : i32
    %dma_wait3A_80 = arith.constant 0 : i32
    %dma_wait3A_81 = tpu.memref_slice %arg10[%dma_wait3A_79, %dma_wait3A_80] : memref<128x128xf32, #tpu.memory_space<vmem>> -> memref<64x128xf32, #tpu.memory_space<vmem>>
    %dma_wait3A_82 = arith.constant 0 : i32
    %dma_wait3A_83 = tpu.memref_slice %arg7[%dma_wait3A_78, %dma_wait3A_82] : memref<40x128xi32, #tpu.memory_space<vmem>> -> memref<1x64xi32, #tpu.memory_space<vmem>>
    %dma_wait3A_84 = tpu.memref_squeeze %dma_wait3A_83 : memref<1x64xi32, #tpu.memory_space<vmem>> -> memref<64xi32, #tpu.memory_space<vmem>>
    %dma_wait3A_85 = arith.constant 0 : i32
    %dma_wait3A_86 = arith.constant 0 : i32
    %dma_wait3A_87 = tpu.memref_slice %arg2[%dma_wait3A_85, %dma_wait3A_86] : memref<10240x128xf32, #tpu.memory_space<hbm>> -> memref<10240x128xf32, #tpu.memory_space<hbm>>
    tpu.wait_indirect_dma semaphore(%arg14 : memref<!tpu.dma_semaphore, #tpu.memory_space<semaphore_mem>>) src(%dma_wait3A_87 : memref<10240x128xf32, #tpu.memory_space<hbm>>) dst(%dma_wait3A_81 : memref<64x128xf32, #tpu.memory_space<vmem>>)
    %dma_wait3A_88 = arith.constant 0 : i32
    %dma_wait3A_89 = arith.constant 64 : i32
    %dma_wait3A_90 = arith.constant 0 : i32
    %dma_wait3A_91 = tpu.memref_slice %arg10[%dma_wait3A_89, %dma_wait3A_90] : memref<128x128xf32, #tpu.memory_space<vmem>> -> memref<64x128xf32, #tpu.memory_space<vmem>>
    %dma_wait3A_92 = arith.constant 0 : i32
    %dma_wait3A_93 = tpu.memref_slice %arg7[%dma_wait3A_88, %dma_wait3A_92] : memref<40x128xi32, #tpu.memory_space<vmem>> -> memref<1x64xi32, #tpu.memory_space<vmem>>
    %dma_wait3A_94 = tpu.memref_squeeze %dma_wait3A_93 : memref<1x64xi32, #tpu.memory_space<vmem>> -> memref<64xi32, #tpu.memory_space<vmem>>
    %dma_wait3A_95 = arith.constant 0 : i32
    %dma_wait3A_96 = arith.constant 0 : i32
    %dma_wait3A_97 = tpu.memref_slice %arg2[%dma_wait3A_95, %dma_wait3A_96] : memref<10240x128xf32, #tpu.memory_space<hbm>> -> memref<10240x128xf32, #tpu.memory_space<hbm>>
    tpu.wait_indirect_dma semaphore(%arg15 : memref<!tpu.dma_semaphore, #tpu.memory_space<semaphore_mem>>) src(%dma_wait3A_97 : memref<10240x128xf32, #tpu.memory_space<hbm>>) dst(%dma_wait3A_91 : memref<64x128xf32, #tpu.memory_space<vmem>>)
    %dma_start3A_98 = arith.constant 39 : i32
    %dma_start3A_99 = arith.constant 0 : i32
    %dma_start3A_100 = tpu.memref_slice %arg8[%dma_start3A_98, %dma_start3A_99] : memref<40x128xi32, #tpu.memory_space<vmem>> -> memref<1x128xi32, #tpu.memory_space<vmem>>
    %dma_start3A_101 = tpu.memref_squeeze %dma_start3A_100 : memref<1x128xi32, #tpu.memory_space<vmem>> -> memref<128xi32, #tpu.memory_space<vmem>>
    %dma_start3A_102 = arith.constant 0 : i32
    %dma_start3A_103 = arith.constant 0 : i32
    %dma_start3A_104 = tpu.memref_slice %arg11[%dma_start3A_102, %dma_start3A_103] : memref<10240x128xf32, #tpu.memory_space<vmem_shared>> -> memref<10240x128xf32, #tpu.memory_space<vmem_shared>>
    tpu.enqueue_indirect_dma source(%arg10 : memref<128x128xf32, #tpu.memory_space<vmem>>) target(%dma_start3A_104 : memref<10240x128xf32, #tpu.memory_space<vmem_shared>>) offsets(%dma_start3A_101 : memref<128xi32, #tpu.memory_space<vmem>>) semaphore(%arg17 : memref<!tpu.dma_semaphore, #tpu.memory_space<semaphore_mem>>) {add = true}
    %dma_wait3A_105 = arith.constant 0 : i32
    %dma_wait3A_106 = arith.constant 0 : i32
    %dma_wait3A_107 = tpu.memref_slice %arg8[%dma_wait3A_105, %dma_wait3A_106] : memref<40x128xi32, #tpu.memory_space<vmem>> -> memref<1x128xi32, #tpu.memory_space<vmem>>
    %dma_wait3A_108 = tpu.memref_squeeze %dma_wait3A_107 : memref<1x128xi32, #tpu.memory_space<vmem>> -> memref<128xi32, #tpu.memory_space<vmem>>
    %dma_wait3A_109 = arith.constant 0 : i32
    %dma_wait3A_110 = arith.constant 0 : i32
    %dma_wait3A_111 = tpu.memref_slice %arg11[%dma_wait3A_109, %dma_wait3A_110] : memref<10240x128xf32, #tpu.memory_space<vmem_shared>> -> memref<10240x128xf32, #tpu.memory_space<vmem_shared>>
    tpu.wait_indirect_dma semaphore(%arg16 : memref<!tpu.dma_semaphore, #tpu.memory_space<semaphore_mem>>) src(%arg9 : memref<128x128xf32, #tpu.memory_space<vmem>>) dst(%dma_wait3A_111 : memref<10240x128xf32, #tpu.memory_space<vmem_shared>>)
    %dma_wait3A_112 = arith.constant 0 : i32
    %dma_wait3A_113 = arith.constant 0 : i32
    %dma_wait3A_114 = tpu.memref_slice %arg8[%dma_wait3A_112, %dma_wait3A_113] : memref<40x128xi32, #tpu.memory_space<vmem>> -> memref<1x128xi32, #tpu.memory_space<vmem>>
    %dma_wait3A_115 = tpu.memref_squeeze %dma_wait3A_114 : memref<1x128xi32, #tpu.memory_space<vmem>> -> memref<128xi32, #tpu.memory_space<vmem>>
    %dma_wait3A_116 = arith.constant 0 : i32
    %dma_wait3A_117 = arith.constant 0 : i32
    %dma_wait3A_118 = tpu.memref_slice %arg11[%dma_wait3A_116, %dma_wait3A_117] : memref<10240x128xf32, #tpu.memory_space<vmem_shared>> -> memref<10240x128xf32, #tpu.memory_space<vmem_shared>>
    tpu.wait_indirect_dma semaphore(%arg17 : memref<!tpu.dma_semaphore, #tpu.memory_space<semaphore_mem>>) src(%arg10 : memref<128x128xf32, #tpu.memory_space<vmem>>) dst(%dma_wait3A_118 : memref<10240x128xf32, #tpu.memory_space<vmem_shared>>)
    %add3A_119 = arith.constant 40 : i32
    %add3A_120 = arith.addi %mul3A_4, %add3A_119 : i32
    "tpu.region"() ({
      %run_scoped3A = tpu.sem_alloc : memref<!tpu.dma_semaphore, #tpu.memory_space<semaphore_mem>>
      %dma_start3A_237 = arith.constant 0 : i32
      %dma_start3A_238 = tpu.memref_slice %arg3[%add3A_120, %dma_start3A_237] : memref<2560x128xi32, #tpu.memory_space<hbm>> -> memref<40x128xi32, #tpu.memory_space<hbm>>
      %dma_start3A_239 = arith.constant 0 : i32
      %dma_start3A_240 = tpu.memref_slice %arg3[%add3A_120, %dma_start3A_239] : memref<2560x128xi32, #tpu.memory_space<hbm>> -> memref<40x128xi32, #tpu.memory_space<hbm>>
      tpu.enqueue_dma source(%dma_start3A_240 : memref<40x128xi32, #tpu.memory_space<hbm>>) target(%arg7 : memref<40x128xi32, #tpu.memory_space<vmem>>) target_semaphore(%run_scoped3A : memref<!tpu.dma_semaphore, #tpu.memory_space<semaphore_mem>>)
      %dma_wait3A_241 = arith.constant 0 : i32
      %dma_wait3A_242 = tpu.memref_slice %arg3[%add3A_120, %dma_wait3A_241] : memref<2560x128xi32, #tpu.memory_space<hbm>> -> memref<40x128xi32, #tpu.memory_space<hbm>>
      %dma_wait3A_243 = arith.constant 0 : i32
      %dma_wait3A_244 = tpu.memref_slice %arg3[%add3A_120, %dma_wait3A_243] : memref<2560x128xi32, #tpu.memory_space<hbm>> -> memref<40x128xi32, #tpu.memory_space<hbm>>
      tpu.wait_dma2 semaphore(%run_scoped3A : memref<!tpu.dma_semaphore, #tpu.memory_space<semaphore_mem>>) src(%dma_wait3A_244 : memref<40x128xi32, #tpu.memory_space<hbm>>) dst(%arg7 : memref<40x128xi32, #tpu.memory_space<vmem>>)
      tpu.yield
    }) : () -> ()
    %add3A_121 = arith.constant 40 : i32
    %add3A_122 = arith.addi %mul3A_4, %add3A_121 : i32
    "tpu.region"() ({
      %run_scoped3A = tpu.sem_alloc : memref<!tpu.dma_semaphore, #tpu.memory_space<semaphore_mem>>
      %dma_start3A_237 = arith.constant 0 : i32
      %dma_start3A_238 = tpu.memref_slice %arg4[%add3A_122, %dma_start3A_237] : memref<2560x128xi32, #tpu.memory_space<hbm>> -> memref<40x128xi32, #tpu.memory_space<hbm>>
      %dma_start3A_239 = arith.constant 0 : i32
      %dma_start3A_240 = tpu.memref_slice %arg4[%add3A_122, %dma_start3A_239] : memref<2560x128xi32, #tpu.memory_space<hbm>> -> memref<40x128xi32, #tpu.memory_space<hbm>>
      tpu.enqueue_dma source(%dma_start3A_240 : memref<40x128xi32, #tpu.memory_space<hbm>>) target(%arg8 : memref<40x128xi32, #tpu.memory_space<vmem>>) target_semaphore(%run_scoped3A : memref<!tpu.dma_semaphore, #tpu.memory_space<semaphore_mem>>)
      %dma_wait3A_241 = arith.constant 0 : i32
      %dma_wait3A_242 = tpu.memref_slice %arg4[%add3A_122, %dma_wait3A_241] : memref<2560x128xi32, #tpu.memory_space<hbm>> -> memref<40x128xi32, #tpu.memory_space<hbm>>
      %dma_wait3A_243 = arith.constant 0 : i32
      %dma_wait3A_244 = tpu.memref_slice %arg4[%add3A_122, %dma_wait3A_243] : memref<2560x128xi32, #tpu.memory_space<hbm>> -> memref<40x128xi32, #tpu.memory_space<hbm>>
      tpu.wait_dma2 semaphore(%run_scoped3A : memref<!tpu.dma_semaphore, #tpu.memory_space<semaphore_mem>>) src(%dma_wait3A_244 : memref<40x128xi32, #tpu.memory_space<hbm>>) dst(%arg8 : memref<40x128xi32, #tpu.memory_space<vmem>>)
      tpu.yield
    }) : () -> ()
    %dma_start3A_123 = arith.constant 0 : i32
    %dma_start3A_124 = arith.constant 0 : i32
    %dma_start3A_125 = arith.constant 0 : i32
    %dma_start3A_126 = tpu.memref_slice %arg9[%dma_start3A_124, %dma_start3A_125] : memref<128x128xf32, #tpu.memory_space<vmem>> -> memref<64x128xf32, #tpu.memory_space<vmem>>
    %dma_start3A_127 = arith.constant 0 : i32
    %dma_start3A_128 = tpu.memref_slice %arg7[%dma_start3A_123, %dma_start3A_127] : memref<40x128xi32, #tpu.memory_space<vmem>> -> memref<1x64xi32, #tpu.memory_space<vmem>>
    %dma_start3A_129 = tpu.memref_squeeze %dma_start3A_128 : memref<1x64xi32, #tpu.memory_space<vmem>> -> memref<64xi32, #tpu.memory_space<vmem>>
    %dma_start3A_130 = arith.constant 0 : i32
    %dma_start3A_131 = arith.constant 0 : i32
    %dma_start3A_132 = tpu.memref_slice %arg2[%dma_start3A_130, %dma_start3A_131] : memref<10240x128xf32, #tpu.memory_space<hbm>> -> memref<10240x128xf32, #tpu.memory_space<hbm>>
    tpu.enqueue_indirect_dma source(%dma_start3A_132 : memref<10240x128xf32, #tpu.memory_space<hbm>>) target(%dma_start3A_126 : memref<64x128xf32, #tpu.memory_space<vmem>>) offsets(%dma_start3A_129 : memref<64xi32, #tpu.memory_space<vmem>>) semaphore(%arg12 : memref<!tpu.dma_semaphore, #tpu.memory_space<semaphore_mem>>)
    %dma_start3A_133 = arith.constant 0 : i32
    %dma_start3A_134 = arith.constant 64 : i32
    %dma_start3A_135 = arith.constant 0 : i32
    %dma_start3A_136 = tpu.memref_slice %arg9[%dma_start3A_134, %dma_start3A_135] : memref<128x128xf32, #tpu.memory_space<vmem>> -> memref<64x128xf32, #tpu.memory_space<vmem>>
    %dma_start3A_137 = arith.constant 64 : i32
    %dma_start3A_138 = tpu.memref_slice %arg7[%dma_start3A_133, %dma_start3A_137] : memref<40x128xi32, #tpu.memory_space<vmem>> -> memref<1x64xi32, #tpu.memory_space<vmem>>
    %dma_start3A_139 = tpu.memref_squeeze %dma_start3A_138 : memref<1x64xi32, #tpu.memory_space<vmem>> -> memref<64xi32, #tpu.memory_space<vmem>>
    %dma_start3A_140 = arith.constant 0 : i32
    %dma_start3A_141 = arith.constant 0 : i32
    %dma_start3A_142 = tpu.memref_slice %arg2[%dma_start3A_140, %dma_start3A_141] : memref<10240x128xf32, #tpu.memory_space<hbm>> -> memref<10240x128xf32, #tpu.memory_space<hbm>>
    tpu.enqueue_indirect_dma source(%dma_start3A_142 : memref<10240x128xf32, #tpu.memory_space<hbm>>) target(%dma_start3A_136 : memref<64x128xf32, #tpu.memory_space<vmem>>) offsets(%dma_start3A_139 : memref<64xi32, #tpu.memory_space<vmem>>) semaphore(%arg13 : memref<!tpu.dma_semaphore, #tpu.memory_space<semaphore_mem>>)
    %dma_start3A_143 = arith.constant 1 : i32
    %dma_start3A_144 = arith.constant 0 : i32
    %dma_start3A_145 = arith.constant 0 : i32
    %dma_start3A_146 = tpu.memref_slice %arg10[%dma_start3A_144, %dma_start3A_145] : memref<128x128xf32, #tpu.memory_space<vmem>> -> memref<64x128xf32, #tpu.memory_space<vmem>>
    %dma_start3A_147 = arith.constant 0 : i32
    %dma_start3A_148 = tpu.memref_slice %arg7[%dma_start3A_143, %dma_start3A_147] : memref<40x128xi32, #tpu.memory_space<vmem>> -> memref<1x64xi32, #tpu.memory_space<vmem>>
    %dma_start3A_149 = tpu.memref_squeeze %dma_start3A_148 : memref<1x64xi32, #tpu.memory_space<vmem>> -> memref<64xi32, #tpu.memory_space<vmem>>
    %dma_start3A_150 = arith.constant 0 : i32
    %dma_start3A_151 = arith.constant 0 : i32
    %dma_start3A_152 = tpu.memref_slice %arg2[%dma_start3A_150, %dma_start3A_151] : memref<10240x128xf32, #tpu.memory_space<hbm>> -> memref<10240x128xf32, #tpu.memory_space<hbm>>
    tpu.enqueue_indirect_dma source(%dma_start3A_152 : memref<10240x128xf32, #tpu.memory_space<hbm>>) target(%dma_start3A_146 : memref<64x128xf32, #tpu.memory_space<vmem>>) offsets(%dma_start3A_149 : memref<64xi32, #tpu.memory_space<vmem>>) semaphore(%arg14 : memref<!tpu.dma_semaphore, #tpu.memory_space<semaphore_mem>>)
    %dma_start3A_153 = arith.constant 1 : i32
    %dma_start3A_154 = arith.constant 64 : i32
    %dma_start3A_155 = arith.constant 0 : i32
    %dma_start3A_156 = tpu.memref_slice %arg10[%dma_start3A_154, %dma_start3A_155] : memref<128x128xf32, #tpu.memory_space<vmem>> -> memref<64x128xf32, #tpu.memory_space<vmem>>
    %dma_start3A_157 = arith.constant 64 : i32
    %dma_start3A_158 = tpu.memref_slice %arg7[%dma_start3A_153, %dma_start3A_157] : memref<40x128xi32, #tpu.memory_space<vmem>> -> memref<1x64xi32, #tpu.memory_space<vmem>>
    %dma_start3A_159 = tpu.memref_squeeze %dma_start3A_158 : memref<1x64xi32, #tpu.memory_space<vmem>> -> memref<64xi32, #tpu.memory_space<vmem>>
    %dma_start3A_160 = arith.constant 0 : i32
    %dma_start3A_161 = arith.constant 0 : i32
    %dma_start3A_162 = tpu.memref_slice %arg2[%dma_start3A_160, %dma_start3A_161] : memref<10240x128xf32, #tpu.memory_space<hbm>> -> memref<10240x128xf32, #tpu.memory_space<hbm>>
    tpu.enqueue_indirect_dma source(%dma_start3A_162 : memref<10240x128xf32, #tpu.memory_space<hbm>>) target(%dma_start3A_156 : memref<64x128xf32, #tpu.memory_space<vmem>>) offsets(%dma_start3A_159 : memref<64xi32, #tpu.memory_space<vmem>>) semaphore(%arg15 : memref<!tpu.dma_semaphore, #tpu.memory_space<semaphore_mem>>)
    %dma_wait3A_163 = arith.constant 0 : i32
    %dma_wait3A_164 = arith.constant 0 : i32
    %dma_wait3A_165 = arith.constant 0 : i32
    %dma_wait3A_166 = tpu.memref_slice %arg9[%dma_wait3A_164, %dma_wait3A_165] : memref<128x128xf32, #tpu.memory_space<vmem>> -> memref<64x128xf32, #tpu.memory_space<vmem>>
    %dma_wait3A_167 = arith.constant 0 : i32
    %dma_wait3A_168 = tpu.memref_slice %arg7[%dma_wait3A_163, %dma_wait3A_167] : memref<40x128xi32, #tpu.memory_space<vmem>> -> memref<1x64xi32, #tpu.memory_space<vmem>>
    %dma_wait3A_169 = tpu.memref_squeeze %dma_wait3A_168 : memref<1x64xi32, #tpu.memory_space<vmem>> -> memref<64xi32, #tpu.memory_space<vmem>>
    %dma_wait3A_170 = arith.constant 0 : i32
    %dma_wait3A_171 = arith.constant 0 : i32
    %dma_wait3A_172 = tpu.memref_slice %arg2[%dma_wait3A_170, %dma_wait3A_171] : memref<10240x128xf32, #tpu.memory_space<hbm>> -> memref<10240x128xf32, #tpu.memory_space<hbm>>
    tpu.wait_indirect_dma semaphore(%arg12 : memref<!tpu.dma_semaphore, #tpu.memory_space<semaphore_mem>>) src(%dma_wait3A_172 : memref<10240x128xf32, #tpu.memory_space<hbm>>) dst(%dma_wait3A_166 : memref<64x128xf32, #tpu.memory_space<vmem>>)
    %dma_wait3A_173 = arith.constant 0 : i32
    %dma_wait3A_174 = arith.constant 64 : i32
    %dma_wait3A_175 = arith.constant 0 : i32
    %dma_wait3A_176 = tpu.memref_slice %arg9[%dma_wait3A_174, %dma_wait3A_175] : memref<128x128xf32, #tpu.memory_space<vmem>> -> memref<64x128xf32, #tpu.memory_space<vmem>>
    %dma_wait3A_177 = arith.constant 0 : i32
    %dma_wait3A_178 = tpu.memref_slice %arg7[%dma_wait3A_173, %dma_wait3A_177] : memref<40x128xi32, #tpu.memory_space<vmem>> -> memref<1x64xi32, #tpu.memory_space<vmem>>
    %dma_wait3A_179 = tpu.memref_squeeze %dma_wait3A_178 : memref<1x64xi32, #tpu.memory_space<vmem>> -> memref<64xi32, #tpu.memory_space<vmem>>
    %dma_wait3A_180 = arith.constant 0 : i32
    %dma_wait3A_181 = arith.constant 0 : i32
    %dma_wait3A_182 = tpu.memref_slice %arg2[%dma_wait3A_180, %dma_wait3A_181] : memref<10240x128xf32, #tpu.memory_space<hbm>> -> memref<10240x128xf32, #tpu.memory_space<hbm>>
    tpu.wait_indirect_dma semaphore(%arg13 : memref<!tpu.dma_semaphore, #tpu.memory_space<semaphore_mem>>) src(%dma_wait3A_182 : memref<10240x128xf32, #tpu.memory_space<hbm>>) dst(%dma_wait3A_176 : memref<64x128xf32, #tpu.memory_space<vmem>>)
    %dma_start3A_183 = arith.constant 0 : i32
    %dma_start3A_184 = arith.constant 0 : i32
    %dma_start3A_185 = tpu.memref_slice %arg8[%dma_start3A_183, %dma_start3A_184] : memref<40x128xi32, #tpu.memory_space<vmem>> -> memref<1x128xi32, #tpu.memory_space<vmem>>
    %dma_start3A_186 = tpu.memref_squeeze %dma_start3A_185 : memref<1x128xi32, #tpu.memory_space<vmem>> -> memref<128xi32, #tpu.memory_space<vmem>>
    %dma_start3A_187 = arith.constant 0 : i32
    %dma_start3A_188 = arith.constant 0 : i32
    %dma_start3A_189 = tpu.memref_slice %arg11[%dma_start3A_187, %dma_start3A_188] : memref<10240x128xf32, #tpu.memory_space<vmem_shared>> -> memref<10240x128xf32, #tpu.memory_space<vmem_shared>>
    tpu.enqueue_indirect_dma source(%arg9 : memref<128x128xf32, #tpu.memory_space<vmem>>) target(%dma_start3A_189 : memref<10240x128xf32, #tpu.memory_space<vmem_shared>>) offsets(%dma_start3A_186 : memref<128xi32, #tpu.memory_space<vmem>>) semaphore(%arg16 : memref<!tpu.dma_semaphore, #tpu.memory_space<semaphore_mem>>) {add = true}
    %scan3A_190 = arith.constant 0 : i32
    %scan3A_191 = arith.constant 19 : i32
    %scan3A_192 = arith.addi %scan3A_190, %scan3A_191 : i32
    %scan3A_193 = arith.constant 1 : i32
    scf.for %scan3A_237 = %scan3A_190 to %scan3A_192 step %scan3A_193  : i32 {
      %mul3A_238 = arith.constant 1 : i32
      %mul3A_239 = arith.muli %scan3A_237, %mul3A_238 : i32
      %add3A_240 = arith.constant 0 : i32
      %add3A_241 = arith.addi %add3A_240, %mul3A_239 : i32
      %mul3A_242 = arith.constant 2 : i32
      %mul3A_243 = arith.muli %mul3A_242, %add3A_241 : i32
      %add3A_244 = arith.constant 1 : i32
      %add3A_245 = arith.addi %mul3A_243, %add3A_244 : i32
      %dma_wait3A_246 = arith.constant 0 : i32
      %dma_wait3A_247 = arith.constant 0 : i32
      %dma_wait3A_248 = tpu.memref_slice %arg8[%dma_wait3A_246, %dma_wait3A_247] : memref<40x128xi32, #tpu.memory_space<vmem>> -> memref<1x128xi32, #tpu.memory_space<vmem>>
      %dma_wait3A_249 = tpu.memref_squeeze %dma_wait3A_248 : memref<1x128xi32, #tpu.memory_space<vmem>> -> memref<128xi32, #tpu.memory_space<vmem>>
      %dma_wait3A_250 = arith.constant 0 : i32
      %dma_wait3A_251 = arith.constant 0 : i32
      %dma_wait3A_252 = tpu.memref_slice %arg11[%dma_wait3A_250, %dma_wait3A_251] : memref<10240x128xf32, #tpu.memory_space<vmem_shared>> -> memref<10240x128xf32, #tpu.memory_space<vmem_shared>>
      tpu.wait_indirect_dma semaphore(%arg16 : memref<!tpu.dma_semaphore, #tpu.memory_space<semaphore_mem>>) src(%arg9 : memref<128x128xf32, #tpu.memory_space<vmem>>) dst(%dma_wait3A_252 : memref<10240x128xf32, #tpu.memory_space<vmem_shared>>)
      %add3A_253 = arith.constant 1 : i32
      %add3A_254 = arith.addi %add3A_245, %add3A_253 : i32
      %dma_start3A_255 = arith.constant 0 : i32
      %dma_start3A_256 = arith.constant 0 : i32
      %dma_start3A_257 = tpu.memref_slice %arg9[%dma_start3A_255, %dma_start3A_256] : memref<128x128xf32, #tpu.memory_space<vmem>> -> memref<64x128xf32, #tpu.memory_space<vmem>>
      %dma_start3A_258 = arith.constant 0 : i32
      %dma_start3A_259 = tpu.memref_slice %arg7[%add3A_254, %dma_start3A_258] : memref<40x128xi32, #tpu.memory_space<vmem>> -> memref<1x64xi32, #tpu.memory_space<vmem>>
      %dma_start3A_260 = tpu.memref_squeeze %dma_start3A_259 : memref<1x64xi32, #tpu.memory_space<vmem>> -> memref<64xi32, #tpu.memory_space<vmem>>
      %dma_start3A_261 = arith.constant 0 : i32
      %dma_start3A_262 = arith.constant 0 : i32
      %dma_start3A_263 = tpu.memref_slice %arg2[%dma_start3A_261, %dma_start3A_262] : memref<10240x128xf32, #tpu.memory_space<hbm>> -> memref<10240x128xf32, #tpu.memory_space<hbm>>
      tpu.enqueue_indirect_dma source(%dma_start3A_263 : memref<10240x128xf32, #tpu.memory_space<hbm>>) target(%dma_start3A_257 : memref<64x128xf32, #tpu.memory_space<vmem>>) offsets(%dma_start3A_260 : memref<64xi32, #tpu.memory_space<vmem>>) semaphore(%arg12 : memref<!tpu.dma_semaphore, #tpu.memory_space<semaphore_mem>>)
      %dma_start3A_264 = arith.constant 64 : i32
      %dma_start3A_265 = arith.constant 0 : i32
      %dma_start3A_266 = tpu.memref_slice %arg9[%dma_start3A_264, %dma_start3A_265] : memref<128x128xf32, #tpu.memory_space<vmem>> -> memref<64x128xf32, #tpu.memory_space<vmem>>
      %dma_start3A_267 = arith.constant 64 : i32
      %dma_start3A_268 = tpu.memref_slice %arg7[%add3A_254, %dma_start3A_267] : memref<40x128xi32, #tpu.memory_space<vmem>> -> memref<1x64xi32, #tpu.memory_space<vmem>>
      %dma_start3A_269 = tpu.memref_squeeze %dma_start3A_268 : memref<1x64xi32, #tpu.memory_space<vmem>> -> memref<64xi32, #tpu.memory_space<vmem>>
      %dma_start3A_270 = arith.constant 0 : i32
      %dma_start3A_271 = arith.constant 0 : i32
      %dma_start3A_272 = tpu.memref_slice %arg2[%dma_start3A_270, %dma_start3A_271] : memref<10240x128xf32, #tpu.memory_space<hbm>> -> memref<10240x128xf32, #tpu.memory_space<hbm>>
      tpu.enqueue_indirect_dma source(%dma_start3A_272 : memref<10240x128xf32, #tpu.memory_space<hbm>>) target(%dma_start3A_266 : memref<64x128xf32, #tpu.memory_space<vmem>>) offsets(%dma_start3A_269 : memref<64xi32, #tpu.memory_space<vmem>>) semaphore(%arg13 : memref<!tpu.dma_semaphore, #tpu.memory_space<semaphore_mem>>)
      %dma_wait3A_273 = arith.constant 0 : i32
      %dma_wait3A_274 = arith.constant 0 : i32
      %dma_wait3A_275 = arith.constant 0 : i32
      %dma_wait3A_276 = tpu.memref_slice %arg10[%dma_wait3A_274, %dma_wait3A_275] : memref<128x128xf32, #tpu.memory_space<vmem>> -> memref<64x128xf32, #tpu.memory_space<vmem>>
      %dma_wait3A_277 = arith.constant 0 : i32
      %dma_wait3A_278 = tpu.memref_slice %arg7[%dma_wait3A_273, %dma_wait3A_277] : memref<40x128xi32, #tpu.memory_space<vmem>> -> memref<1x64xi32, #tpu.memory_space<vmem>>
      %dma_wait3A_279 = tpu.memref_squeeze %dma_wait3A_278 : memref<1x64xi32, #tpu.memory_space<vmem>> -> memref<64xi32, #tpu.memory_space<vmem>>
      %dma_wait3A_280 = arith.constant 0 : i32
      %dma_wait3A_281 = arith.constant 0 : i32
      %dma_wait3A_282 = tpu.memref_slice %arg2[%dma_wait3A_280, %dma_wait3A_281] : memref<10240x128xf32, #tpu.memory_space<hbm>> -> memref<10240x128xf32, #tpu.memory_space<hbm>>
      tpu.wait_indirect_dma semaphore(%arg14 : memref<!tpu.dma_semaphore, #tpu.memory_space<semaphore_mem>>) src(%dma_wait3A_282 : memref<10240x128xf32, #tpu.memory_space<hbm>>) dst(%dma_wait3A_276 : memref<64x128xf32, #tpu.memory_space<vmem>>)
      %dma_wait3A_283 = arith.constant 0 : i32
      %dma_wait3A_284 = arith.constant 64 : i32
      %dma_wait3A_285 = arith.constant 0 : i32
      %dma_wait3A_286 = tpu.memref_slice %arg10[%dma_wait3A_284, %dma_wait3A_285] : memref<128x128xf32, #tpu.memory_space<vmem>> -> memref<64x128xf32, #tpu.memory_space<vmem>>
      %dma_wait3A_287 = arith.constant 0 : i32
      %dma_wait3A_288 = tpu.memref_slice %arg7[%dma_wait3A_283, %dma_wait3A_287] : memref<40x128xi32, #tpu.memory_space<vmem>> -> memref<1x64xi32, #tpu.memory_space<vmem>>
      %dma_wait3A_289 = tpu.memref_squeeze %dma_wait3A_288 : memref<1x64xi32, #tpu.memory_space<vmem>> -> memref<64xi32, #tpu.memory_space<vmem>>
      %dma_wait3A_290 = arith.constant 0 : i32
      %dma_wait3A_291 = arith.constant 0 : i32
      %dma_wait3A_292 = tpu.memref_slice %arg2[%dma_wait3A_290, %dma_wait3A_291] : memref<10240x128xf32, #tpu.memory_space<hbm>> -> memref<10240x128xf32, #tpu.memory_space<hbm>>
      tpu.wait_indirect_dma semaphore(%arg15 : memref<!tpu.dma_semaphore, #tpu.memory_space<semaphore_mem>>) src(%dma_wait3A_292 : memref<10240x128xf32, #tpu.memory_space<hbm>>) dst(%dma_wait3A_286 : memref<64x128xf32, #tpu.memory_space<vmem>>)
      %dma_start3A_293 = arith.constant 0 : i32
      %dma_start3A_294 = tpu.memref_slice %arg8[%add3A_245, %dma_start3A_293] : memref<40x128xi32, #tpu.memory_space<vmem>> -> memref<1x128xi32, #tpu.memory_space<vmem>>
      %dma_start3A_295 = tpu.memref_squeeze %dma_start3A_294 : memref<1x128xi32, #tpu.memory_space<vmem>> -> memref<128xi32, #tpu.memory_space<vmem>>
      %dma_start3A_296 = arith.constant 0 : i32
      %dma_start3A_297 = arith.constant 0 : i32
      %dma_start3A_298 = tpu.memref_slice %arg11[%dma_start3A_296, %dma_start3A_297] : memref<10240x128xf32, #tpu.memory_space<vmem_shared>> -> memref<10240x128xf32, #tpu.memory_space<vmem_shared>>
      tpu.enqueue_indirect_dma source(%arg10 : memref<128x128xf32, #tpu.memory_space<vmem>>) target(%dma_start3A_298 : memref<10240x128xf32, #tpu.memory_space<vmem_shared>>) offsets(%dma_start3A_295 : memref<128xi32, #tpu.memory_space<vmem>>) semaphore(%arg17 : memref<!tpu.dma_semaphore, #tpu.memory_space<semaphore_mem>>) {add = true}
      %dma_wait3A_299 = arith.constant 0 : i32
      %dma_wait3A_300 = arith.constant 0 : i32
      %dma_wait3A_301 = tpu.memref_slice %arg8[%dma_wait3A_299, %dma_wait3A_300] : memref<40x128xi32, #tpu.memory_space<vmem>> -> memref<1x128xi32, #tpu.memory_space<vmem>>
      %dma_wait3A_302 = tpu.memref_squeeze %dma_wait3A_301 : memref<1x128xi32, #tpu.memory_space<vmem>> -> memref<128xi32, #tpu.memory_space<vmem>>
      %dma_wait3A_303 = arith.constant 0 : i32
      %dma_wait3A_304 = arith.constant 0 : i32
      %dma_wait3A_305 = tpu.memref_slice %arg11[%dma_wait3A_303, %dma_wait3A_304] : memref<10240x128xf32, #tpu.memory_space<vmem_shared>> -> memref<10240x128xf32, #tpu.memory_space<vmem_shared>>
      tpu.wait_indirect_dma semaphore(%arg17 : memref<!tpu.dma_semaphore, #tpu.memory_space<semaphore_mem>>) src(%arg10 : memref<128x128xf32, #tpu.memory_space<vmem>>) dst(%dma_wait3A_305 : memref<10240x128xf32, #tpu.memory_space<vmem_shared>>)
      %add3A_306 = arith.constant 2 : i32
      %add3A_307 = arith.addi %add3A_245, %add3A_306 : i32
      %dma_start3A_308 = arith.constant 0 : i32
      %dma_start3A_309 = arith.constant 0 : i32
      %dma_start3A_310 = tpu.memref_slice %arg10[%dma_start3A_308, %dma_start3A_309] : memref<128x128xf32, #tpu.memory_space<vmem>> -> memref<64x128xf32, #tpu.memory_space<vmem>>
      %dma_start3A_311 = arith.constant 0 : i32
      %dma_start3A_312 = tpu.memref_slice %arg7[%add3A_307, %dma_start3A_311] : memref<40x128xi32, #tpu.memory_space<vmem>> -> memref<1x64xi32, #tpu.memory_space<vmem>>
      %dma_start3A_313 = tpu.memref_squeeze %dma_start3A_312 : memref<1x64xi32, #tpu.memory_space<vmem>> -> memref<64xi32, #tpu.memory_space<vmem>>
      %dma_start3A_314 = arith.constant 0 : i32
      %dma_start3A_315 = arith.constant 0 : i32
      %dma_start3A_316 = tpu.memref_slice %arg2[%dma_start3A_314, %dma_start3A_315] : memref<10240x128xf32, #tpu.memory_space<hbm>> -> memref<10240x128xf32, #tpu.memory_space<hbm>>
      tpu.enqueue_indirect_dma source(%dma_start3A_316 : memref<10240x128xf32, #tpu.memory_space<hbm>>) target(%dma_start3A_310 : memref<64x128xf32, #tpu.memory_space<vmem>>) offsets(%dma_start3A_313 : memref<64xi32, #tpu.memory_space<vmem>>) semaphore(%arg14 : memref<!tpu.dma_semaphore, #tpu.memory_space<semaphore_mem>>)
      %dma_start3A_317 = arith.constant 64 : i32
      %dma_start3A_318 = arith.constant 0 : i32
      %dma_start3A_319 = tpu.memref_slice %arg10[%dma_start3A_317, %dma_start3A_318] : memref<128x128xf32, #tpu.memory_space<vmem>> -> memref<64x128xf32, #tpu.memory_space<vmem>>
      %dma_start3A_320 = arith.constant 64 : i32
      %dma_start3A_321 = tpu.memref_slice %arg7[%add3A_307, %dma_start3A_320] : memref<40x128xi32, #tpu.memory_space<vmem>> -> memref<1x64xi32, #tpu.memory_space<vmem>>
      %dma_start3A_322 = tpu.memref_squeeze %dma_start3A_321 : memref<1x64xi32, #tpu.memory_space<vmem>> -> memref<64xi32, #tpu.memory_space<vmem>>
      %dma_start3A_323 = arith.constant 0 : i32
      %dma_start3A_324 = arith.constant 0 : i32
      %dma_start3A_325 = tpu.memref_slice %arg2[%dma_start3A_323, %dma_start3A_324] : memref<10240x128xf32, #tpu.memory_space<hbm>> -> memref<10240x128xf32, #tpu.memory_space<hbm>>
      tpu.enqueue_indirect_dma source(%dma_start3A_325 : memref<10240x128xf32, #tpu.memory_space<hbm>>) target(%dma_start3A_319 : memref<64x128xf32, #tpu.memory_space<vmem>>) offsets(%dma_start3A_322 : memref<64xi32, #tpu.memory_space<vmem>>) semaphore(%arg15 : memref<!tpu.dma_semaphore, #tpu.memory_space<semaphore_mem>>)
      %dma_wait3A_326 = arith.constant 0 : i32
      %dma_wait3A_327 = arith.constant 0 : i32
      %dma_wait3A_328 = arith.constant 0 : i32
      %dma_wait3A_329 = tpu.memref_slice %arg9[%dma_wait3A_327, %dma_wait3A_328] : memref<128x128xf32, #tpu.memory_space<vmem>> -> memref<64x128xf32, #tpu.memory_space<vmem>>
      %dma_wait3A_330 = arith.constant 0 : i32
      %dma_wait3A_331 = tpu.memref_slice %arg7[%dma_wait3A_326, %dma_wait3A_330] : memref<40x128xi32, #tpu.memory_space<vmem>> -> memref<1x64xi32, #tpu.memory_space<vmem>>
      %dma_wait3A_332 = tpu.memref_squeeze %dma_wait3A_331 : memref<1x64xi32, #tpu.memory_space<vmem>> -> memref<64xi32, #tpu.memory_space<vmem>>
      %dma_wait3A_333 = arith.constant 0 : i32
      %dma_wait3A_334 = arith.constant 0 : i32
      %dma_wait3A_335 = tpu.memref_slice %arg2[%dma_wait3A_333, %dma_wait3A_334] : memref<10240x128xf32, #tpu.memory_space<hbm>> -> memref<10240x128xf32, #tpu.memory_space<hbm>>
      tpu.wait_indirect_dma semaphore(%arg12 : memref<!tpu.dma_semaphore, #tpu.memory_space<semaphore_mem>>) src(%dma_wait3A_335 : memref<10240x128xf32, #tpu.memory_space<hbm>>) dst(%dma_wait3A_329 : memref<64x128xf32, #tpu.memory_space<vmem>>)
      %dma_wait3A_336 = arith.constant 0 : i32
      %dma_wait3A_337 = arith.constant 64 : i32
      %dma_wait3A_338 = arith.constant 0 : i32
      %dma_wait3A_339 = tpu.memref_slice %arg9[%dma_wait3A_337, %dma_wait3A_338] : memref<128x128xf32, #tpu.memory_space<vmem>> -> memref<64x128xf32, #tpu.memory_space<vmem>>
      %dma_wait3A_340 = arith.constant 0 : i32
      %dma_wait3A_341 = tpu.memref_slice %arg7[%dma_wait3A_336, %dma_wait3A_340] : memref<40x128xi32, #tpu.memory_space<vmem>> -> memref<1x64xi32, #tpu.memory_space<vmem>>
      %dma_wait3A_342 = tpu.memref_squeeze %dma_wait3A_341 : memref<1x64xi32, #tpu.memory_space<vmem>> -> memref<64xi32, #tpu.memory_space<vmem>>
      %dma_wait3A_343 = arith.constant 0 : i32
      %dma_wait3A_344 = arith.constant 0 : i32
      %dma_wait3A_345 = tpu.memref_slice %arg2[%dma_wait3A_343, %dma_wait3A_344] : memref<10240x128xf32, #tpu.memory_space<hbm>> -> memref<10240x128xf32, #tpu.memory_space<hbm>>
      tpu.wait_indirect_dma semaphore(%arg13 : memref<!tpu.dma_semaphore, #tpu.memory_space<semaphore_mem>>) src(%dma_wait3A_345 : memref<10240x128xf32, #tpu.memory_space<hbm>>) dst(%dma_wait3A_339 : memref<64x128xf32, #tpu.memory_space<vmem>>)
      %add3A_346 = arith.constant 1 : i32
      %add3A_347 = arith.addi %add3A_245, %add3A_346 : i32
      %dma_start3A_348 = arith.constant 0 : i32
      %dma_start3A_349 = tpu.memref_slice %arg8[%add3A_347, %dma_start3A_348] : memref<40x128xi32, #tpu.memory_space<vmem>> -> memref<1x128xi32, #tpu.memory_space<vmem>>
      %dma_start3A_350 = tpu.memref_squeeze %dma_start3A_349 : memref<1x128xi32, #tpu.memory_space<vmem>> -> memref<128xi32, #tpu.memory_space<vmem>>
      %dma_start3A_351 = arith.constant 0 : i32
      %dma_start3A_352 = arith.constant 0 : i32
      %dma_start3A_353 = tpu.memref_slice %arg11[%dma_start3A_351, %dma_start3A_352] : memref<10240x128xf32, #tpu.memory_space<vmem_shared>> -> memref<10240x128xf32, #tpu.memory_space<vmem_shared>>
      tpu.enqueue_indirect_dma source(%arg9 : memref<128x128xf32, #tpu.memory_space<vmem>>) target(%dma_start3A_353 : memref<10240x128xf32, #tpu.memory_space<vmem_shared>>) offsets(%dma_start3A_350 : memref<128xi32, #tpu.memory_space<vmem>>) semaphore(%arg16 : memref<!tpu.dma_semaphore, #tpu.memory_space<semaphore_mem>>) {add = true}
    }
    %scan3A_194 = arith.constant 19 : i32
    %dma_wait3A_195 = arith.constant 0 : i32
    %dma_wait3A_196 = arith.constant 0 : i32
    %dma_wait3A_197 = arith.constant 0 : i32
    %dma_wait3A_198 = tpu.memref_slice %arg10[%dma_wait3A_196, %dma_wait3A_197] : memref<128x128xf32, #tpu.memory_space<vmem>> -> memref<64x128xf32, #tpu.memory_space<vmem>>
    %dma_wait3A_199 = arith.constant 0 : i32
    %dma_wait3A_200 = tpu.memref_slice %arg7[%dma_wait3A_195, %dma_wait3A_199] : memref<40x128xi32, #tpu.memory_space<vmem>> -> memref<1x64xi32, #tpu.memory_space<vmem>>
    %dma_wait3A_201 = tpu.memref_squeeze %dma_wait3A_200 : memref<1x64xi32, #tpu.memory_space<vmem>> -> memref<64xi32, #tpu.memory_space<vmem>>
    %dma_wait3A_202 = arith.constant 0 : i32
    %dma_wait3A_203 = arith.constant 0 : i32
    %dma_wait3A_204 = tpu.memref_slice %arg2[%dma_wait3A_202, %dma_wait3A_203] : memref<10240x128xf32, #tpu.memory_space<hbm>> -> memref<10240x128xf32, #tpu.memory_space<hbm>>
    tpu.wait_indirect_dma semaphore(%arg14 : memref<!tpu.dma_semaphore, #tpu.memory_space<semaphore_mem>>) src(%dma_wait3A_204 : memref<10240x128xf32, #tpu.memory_space<hbm>>) dst(%dma_wait3A_198 : memref<64x128xf32, #tpu.memory_space<vmem>>)
    %dma_wait3A_205 = arith.constant 0 : i32
    %dma_wait3A_206 = arith.constant 64 : i32
    %dma_wait3A_207 = arith.constant 0 : i32
    %dma_wait3A_208 = tpu.memref_slice %arg10[%dma_wait3A_206, %dma_wait3A_207] : memref<128x128xf32, #tpu.memory_space<vmem>> -> memref<64x128xf32, #tpu.memory_space<vmem>>
    %dma_wait3A_209 = arith.constant 0 : i32
    %dma_wait3A_210 = tpu.memref_slice %arg7[%dma_wait3A_205, %dma_wait3A_209] : memref<40x128xi32, #tpu.memory_space<vmem>> -> memref<1x64xi32, #tpu.memory_space<vmem>>
    %dma_wait3A_211 = tpu.memref_squeeze %dma_wait3A_210 : memref<1x64xi32, #tpu.memory_space<vmem>> -> memref<64xi32, #tpu.memory_space<vmem>>
    %dma_wait3A_212 = arith.constant 0 : i32
    %dma_wait3A_213 = arith.constant 0 : i32
    %dma_wait3A_214 = tpu.memref_slice %arg2[%dma_wait3A_212, %dma_wait3A_213] : memref<10240x128xf32, #tpu.memory_space<hbm>> -> memref<10240x128xf32, #tpu.memory_space<hbm>>
    tpu.wait_indirect_dma semaphore(%arg15 : memref<!tpu.dma_semaphore, #tpu.memory_space<semaphore_mem>>) src(%dma_wait3A_214 : memref<10240x128xf32, #tpu.memory_space<hbm>>) dst(%dma_wait3A_208 : memref<64x128xf32, #tpu.memory_space<vmem>>)
    %dma_start3A_215 = arith.constant 39 : i32
    %dma_start3A_216 = arith.constant 0 : i32
    %dma_start3A_217 = tpu.memref_slice %arg8[%dma_start3A_215, %dma_start3A_216] : memref<40x128xi32, #tpu.memory_space<vmem>> -> memref<1x128xi32, #tpu.memory_space<vmem>>
    %dma_start3A_218 = tpu.memref_squeeze %dma_start3A_217 : memref<1x128xi32, #tpu.memory_space<vmem>> -> memref<128xi32, #tpu.memory_space<vmem>>
    %dma_start3A_219 = arith.constant 0 : i32
    %dma_start3A_220 = arith.constant 0 : i32
    %dma_start3A_221 = tpu.memref_slice %arg11[%dma_start3A_219, %dma_start3A_220] : memref<10240x128xf32, #tpu.memory_space<vmem_shared>> -> memref<10240x128xf32, #tpu.memory_space<vmem_shared>>
    tpu.enqueue_indirect_dma source(%arg10 : memref<128x128xf32, #tpu.memory_space<vmem>>) target(%dma_start3A_221 : memref<10240x128xf32, #tpu.memory_space<vmem_shared>>) offsets(%dma_start3A_218 : memref<128xi32, #tpu.memory_space<vmem>>) semaphore(%arg17 : memref<!tpu.dma_semaphore, #tpu.memory_space<semaphore_mem>>) {add = true}
    %dma_wait3A_222 = arith.constant 0 : i32
    %dma_wait3A_223 = arith.constant 0 : i32
    %dma_wait3A_224 = tpu.memref_slice %arg8[%dma_wait3A_222, %dma_wait3A_223] : memref<40x128xi32, #tpu.memory_space<vmem>> -> memref<1x128xi32, #tpu.memory_space<vmem>>
    %dma_wait3A_225 = tpu.memref_squeeze %dma_wait3A_224 : memref<1x128xi32, #tpu.memory_space<vmem>> -> memref<128xi32, #tpu.memory_space<vmem>>
    %dma_wait3A_226 = arith.constant 0 : i32
    %dma_wait3A_227 = arith.constant 0 : i32
    %dma_wait3A_228 = tpu.memref_slice %arg11[%dma_wait3A_226, %dma_wait3A_227] : memref<10240x128xf32, #tpu.memory_space<vmem_shared>> -> memref<10240x128xf32, #tpu.memory_space<vmem_shared>>
    tpu.wait_indirect_dma semaphore(%arg16 : memref<!tpu.dma_semaphore, #tpu.memory_space<semaphore_mem>>) src(%arg9 : memref<128x128xf32, #tpu.memory_space<vmem>>) dst(%dma_wait3A_228 : memref<10240x128xf32, #tpu.memory_space<vmem_shared>>)
    %dma_wait3A_229 = arith.constant 0 : i32
    %dma_wait3A_230 = arith.constant 0 : i32
    %dma_wait3A_231 = tpu.memref_slice %arg8[%dma_wait3A_229, %dma_wait3A_230] : memref<40x128xi32, #tpu.memory_space<vmem>> -> memref<1x128xi32, #tpu.memory_space<vmem>>
    %dma_wait3A_232 = tpu.memref_squeeze %dma_wait3A_231 : memref<1x128xi32, #tpu.memory_space<vmem>> -> memref<128xi32, #tpu.memory_space<vmem>>
    %dma_wait3A_233 = arith.constant 0 : i32
    %dma_wait3A_234 = arith.constant 0 : i32
    %dma_wait3A_235 = tpu.memref_slice %arg11[%dma_wait3A_233, %dma_wait3A_234] : memref<10240x128xf32, #tpu.memory_space<vmem_shared>> -> memref<10240x128xf32, #tpu.memory_space<vmem_shared>>
    tpu.wait_indirect_dma semaphore(%arg17 : memref<!tpu.dma_semaphore, #tpu.memory_space<semaphore_mem>>) src(%arg10 : memref<128x128xf32, #tpu.memory_space<vmem>>) dst(%dma_wait3A_235 : memref<10240x128xf32, #tpu.memory_space<vmem_shared>>)
    %barrier3A_236 = arith.constant 0 : index
    tpu.barrier barrier_id(%barrier3A_236)
    "tpu.region"() ({
      %run_scoped3A = tpu.sem_alloc : memref<!tpu.dma_semaphore, #tpu.memory_space<semaphore_mem>>
      %dma_start3A_237 = arith.constant 0 : i32
      %dma_start3A_238 = tpu.memref_slice %arg6[%arg0, %mul3A_0, %dma_start3A_237] : memref<2x10240x128xf32, #tpu.memory_space<hbm>> -> memref<1x640x128xf32, #tpu.memory_space<hbm>>
      %dma_start3A_239 = tpu.memref_squeeze %dma_start3A_238 : memref<1x640x128xf32, #tpu.memory_space<hbm>> -> memref<640x128xf32, #tpu.memory_space<hbm>>
      %dma_start3A_240 = arith.constant 0 : i32
      %dma_start3A_241 = tpu.memref_slice %arg11[%mul3A_0, %dma_start3A_240] : memref<10240x128xf32, #tpu.memory_space<vmem_shared>> -> memref<640x128xf32, #tpu.memory_space<vmem_shared>>
      tpu.enqueue_dma source(%dma_start3A_241 : memref<640x128xf32, #tpu.memory_space<vmem_shared>>) target(%dma_start3A_239 : memref<640x128xf32, #tpu.memory_space<hbm>>) target_semaphore(%run_scoped3A : memref<!tpu.dma_semaphore, #tpu.memory_space<semaphore_mem>>)
      %dma_wait3A_242 = arith.constant 0 : i32
      %dma_wait3A_243 = tpu.memref_slice %arg6[%arg0, %mul3A_0, %dma_wait3A_242] : memref<2x10240x128xf32, #tpu.memory_space<hbm>> -> memref<1x640x128xf32, #tpu.memory_space<hbm>>
      %dma_wait3A_244 = tpu.memref_squeeze %dma_wait3A_243 : memref<1x640x128xf32, #tpu.memory_space<hbm>> -> memref<640x128xf32, #tpu.memory_space<hbm>>
      %dma_wait3A_245 = arith.constant 0 : i32
      %dma_wait3A_246 = tpu.memref_slice %arg11[%mul3A_0, %dma_wait3A_245] : memref<10240x128xf32, #tpu.memory_space<vmem_shared>> -> memref<640x128xf32, #tpu.memory_space<vmem_shared>>
      tpu.wait_dma2 semaphore(%run_scoped3A : memref<!tpu.dma_semaphore, #tpu.memory_space<semaphore_mem>>) src(%dma_wait3A_246 : memref<640x128xf32, #tpu.memory_space<vmem_shared>>) dst(%dma_wait3A_244 : memref<640x128xf32, #tpu.memory_space<hbm>>)
      tpu.yield
    }) : () -> ()
    return
  }
}

module attributes {stable_mosaic.version = 14 : i64} {
  func.func @body(%arg0: memref<10240x128xf32, #tpu.memory_space<vmem>>, %arg1: memref<128x128xf32, #tpu.memory_space<vmem>>, %arg2: memref<1x128xf32, #tpu.memory_space<vmem>>, %arg3: memref<10240x128xf32, #tpu.memory_space<vmem>>) attributes {dimension_semantics = [], scalar_prefetch = 0 : i64, scratch_operands = 0 : i64, tpu.core_type = #tpu.core_type<tc>} {
    %get3A = arith.constant 0 : index
    %get3A_0 = arith.constant 0 : index
    %get3A_1 = vector.load %arg0[%get3A, %get3A_0] : memref<10240x128xf32, #tpu.memory_space<vmem>>, vector<10240x128xf32>
    %get3A_2 = arith.constant 0 : index
    %get3A_3 = arith.constant 0 : index
    %get3A_4 = vector.load %arg1[%get3A_2, %get3A_3] : memref<128x128xf32, #tpu.memory_space<vmem>>, vector<128x128xf32>
    %dot_general3A = arith.constant dense<0.000000e+00> : vector<10240x128xf32>
    %dot_general3A_5 = tpu.matmul %get3A_1, %get3A_4, %dot_general3A {dimension_numbers = #tpu.dot_dimension_numbers<[1], [0], [0], [1], [0, 0, 1, 1], [], []>, transpose_lhs_hint = false} : vector<10240x128xf32>, vector<128x128xf32>, vector<10240x128xf32> -> vector<10240x128xf32>
    %get3A_6 = arith.constant 0 : index
    %get3A_7 = arith.constant 0 : index
    %get3A_8 = vector.load %arg2[%get3A_6, %get3A_7] : memref<1x128xf32, #tpu.memory_space<vmem>>, vector<1x128xf32>
    %add3A = vector.broadcast %get3A_8 : vector<1x128xf32> to vector<10240x128xf32>
    %add3A_9 = arith.addf %dot_general3A_5, %add3A : vector<10240x128xf32>
    %max3A = arith.constant 0.000000e+00 : f32
    %max3A_10 = vector.broadcast %max3A : f32 to vector<10240x128xf32>
    %max3A_11 = arith.maximumf %add3A_9, %max3A_10 : vector<10240x128xf32>
    %swap3A = arith.constant 0 : index
    %swap3A_12 = arith.constant 0 : index
    %swap3A_13 = vector.load %arg3[%swap3A, %swap3A_12] : memref<10240x128xf32, #tpu.memory_space<vmem>>, vector<10240x128xf32>
    tpu.vector_store %arg3[%swap3A, %swap3A_12], %max3A_11 {strides = array<i32>} : memref<10240x128xf32, #tpu.memory_space<vmem>>, vector<10240x128xf32>,
    return
  }
}

module attributes {stable_mosaic.version = 14 : i64} {
  func.func @body(%arg0: memref<10240x128xf32, #tpu.memory_space<vmem>>, %arg1: memref<10240x128xf32, #tpu.memory_space<vmem>>, %arg2: memref<128x128xf32, #tpu.memory_space<vmem>>, %arg3: memref<10240x128xf32, #tpu.memory_space<vmem>>) attributes {dimension_semantics = [], scalar_prefetch = 0 : i64, scratch_operands = 0 : i64, tpu.core_type = #tpu.core_type<tc>} {
    %get3A = arith.constant 0 : index
    %get3A_0 = arith.constant 0 : index
    %get3A_1 = vector.load %arg0[%get3A, %get3A_0] : memref<10240x128xf32, #tpu.memory_space<vmem>>, vector<10240x128xf32>
    %get3A_2 = arith.constant 0 : index
    %get3A_3 = arith.constant 0 : index
    %get3A_4 = vector.load %arg1[%get3A_2, %get3A_3] : memref<10240x128xf32, #tpu.memory_space<vmem>>, vector<10240x128xf32>
    %add3A = arith.addf %get3A_1, %get3A_4 : vector<10240x128xf32>
    %get3A_5 = arith.constant 0 : index
    %get3A_6 = arith.constant 0 : index
    %get3A_7 = vector.load %arg2[%get3A_5, %get3A_6] : memref<128x128xf32, #tpu.memory_space<vmem>>, vector<128x128xf32>
    %dot_general3A = arith.constant dense<0.000000e+00> : vector<10240x128xf32>
    %dot_general3A_8 = tpu.matmul %add3A, %get3A_7, %dot_general3A {dimension_numbers = #tpu.dot_dimension_numbers<[1], [0], [0], [1], [0, 0, 1, 1], [], []>, transpose_lhs_hint = false} : vector<10240x128xf32>, vector<128x128xf32>, vector<10240x128xf32> -> vector<10240x128xf32>
    %swap3A = arith.constant 0 : index
    %swap3A_9 = arith.constant 0 : index
    %swap3A_10 = vector.load %arg3[%swap3A, %swap3A_9] : memref<10240x128xf32, #tpu.memory_space<vmem>>, vector<10240x128xf32>
    tpu.vector_store %arg3[%swap3A, %swap3A_9], %dot_general3A_8 {strides = array<i32>} : memref<10240x128xf32, #tpu.memory_space<vmem>>, vector<10240x128xf32>,
    return
  }
}

module attributes {stable_mosaic.version = 14 : i64} {
  func.func @body(%arg0: memref<10240x128xf32, #tpu.memory_space<vmem>>, %arg1: memref<10240x128xf32, #tpu.memory_space<vmem>>, %arg2: memref<128x64xf32, #tpu.memory_space<vmem>>, %arg3: memref<1x64xf32, #tpu.memory_space<vmem>>, %arg4: memref<10240x64xf32, #tpu.memory_space<vmem>>) attributes {dimension_semantics = [], scalar_prefetch = 0 : i64, scratch_operands = 0 : i64, tpu.core_type = #tpu.core_type<tc>} {
    %get3A = arith.constant 0 : index
    %get3A_0 = arith.constant 0 : index
    %get3A_1 = vector.load %arg0[%get3A, %get3A_0] : memref<10240x128xf32, #tpu.memory_space<vmem>>, vector<10240x128xf32>
    %get3A_2 = arith.constant 0 : index
    %get3A_3 = arith.constant 0 : index
    %get3A_4 = vector.load %arg1[%get3A_2, %get3A_3] : memref<10240x128xf32, #tpu.memory_space<vmem>>, vector<10240x128xf32>
    %add3A = arith.addf %get3A_1, %get3A_4 : vector<10240x128xf32>
    %get3A_5 = arith.constant 0 : index
    %get3A_6 = arith.constant 0 : index
    %get3A_7 = vector.load %arg2[%get3A_5, %get3A_6] : memref<128x64xf32, #tpu.memory_space<vmem>>, vector<128x64xf32>
    %dot_general3A = arith.constant dense<0.000000e+00> : vector<10240x64xf32>
    %dot_general3A_8 = tpu.matmul %add3A, %get3A_7, %dot_general3A {dimension_numbers = #tpu.dot_dimension_numbers<[1], [0], [0], [1], [0, 0, 1, 1], [], []>, transpose_lhs_hint = false} : vector<10240x128xf32>, vector<128x64xf32>, vector<10240x64xf32> -> vector<10240x64xf32>
    %get3A_9 = arith.constant 0 : index
    %get3A_10 = arith.constant 0 : index
    %get3A_11 = vector.load %arg3[%get3A_9, %get3A_10] : memref<1x64xf32, #tpu.memory_space<vmem>>, vector<1x64xf32>
    %add3A_12 = vector.broadcast %get3A_11 : vector<1x64xf32> to vector<10240x64xf32>
    %add3A_13 = arith.addf %dot_general3A_8, %add3A_12 : vector<10240x64xf32>
    %reduce_max3A = arith.constant dense<0xFF800000> : vector<10240xf32>
    %reduce_max3A_14 = vector.multi_reduction <maximumf>, %add3A_13, %reduce_max3A [1] : vector<10240x64xf32> to vector<10240xf32>
    %broadcast_in_dim3A = vector.shape_cast %reduce_max3A_14 : vector<10240xf32> to vector<10240x1xf32>
    %sub3A = vector.broadcast %broadcast_in_dim3A : vector<10240x1xf32> to vector<10240x64xf32>
    %sub3A_15 = arith.subf %add3A_13, %sub3A : vector<10240x64xf32>
    %exp3A = math.exp %sub3A_15 : vector<10240x64xf32>
    %reduce_sum3A = arith.constant dense<0.000000e+00> : vector<10240xf32>
    %reduce_sum3A_16 = vector.multi_reduction <add>, %exp3A, %reduce_sum3A [1] : vector<10240x64xf32> to vector<10240xf32>
    %broadcast_in_dim3A_17 = vector.shape_cast %reduce_sum3A_16 : vector<10240xf32> to vector<10240x1xf32>
    %div3A = vector.broadcast %broadcast_in_dim3A_17 : vector<10240x1xf32> to vector<10240x64xf32>
    %div3A_18 = arith.divf %exp3A, %div3A : vector<10240x64xf32>
    %swap3A = arith.constant 0 : index
    %swap3A_19 = arith.constant 0 : index
    %swap3A_20 = vector.load %arg4[%swap3A, %swap3A_19] : memref<10240x64xf32, #tpu.memory_space<vmem>>, vector<10240x64xf32>
    tpu.vector_store %arg4[%swap3A, %swap3A_19], %div3A_18 {strides = array<i32>} : memref<10240x64xf32, #tpu.memory_space<vmem>>, vector<10240x64xf32>,
    return
  }
}

</mosaic_0001>

<sc_bundles>
// kernel: kernel.10.cloned.1.call-start
scs
__scs_entry_jumppad:
0x0: {  	(pc) =	sbr.rel $0x88, $3  }
0x1: {  	(tag) =	ssettag $0x0;
	lr =	simm.s32 $0x1  }
0x2: {  	[smem:$0x3F9A] =	sst lr;
	_ =	strace $0xD0000000  }
0x3: {  	_ = 	snop  }
0x4: {  	_ = 	snop  }
0x5: {  	_ = 	snop  }
0x6: {  	_ = 	snop  }
0x7: {  	_ = 	snop  }
__scs_overlays_trampoline_lowered:
0x8: {  	[smem:$0x3FA9] =	sst s0  }
0x9: {  	[smem:$0x3FAA] =	sst s1  }
0xa: {  	[smem:$0x3FAB] =	sst s2  }
0xb: {  	[smem:$0x3FAC] =	sst s3  }
0xc: {  	[smem:$0x3FAD] =	sst s4  }
0xd: {  	[smem:$0x3FAE] =	sst s5  }
0xe: {  	[smem:$0x3FAF] =	sst s6  }
0xf: {  	[smem:$0x3FB0] =	sst s7  }
0x10: {  	[smem:$0x3FB1] =	sst s8  }
0x11: {  	[smem:$0x3FB2] =	sst s9;
	s0 =	simm.s32 @!p0 $0x0  }
0x12: {  	s1 =	sld [smem:$0x3F98];
	s0 =	simm.s32 @p0 $0x1  }
0x13: {  	[smem:$0x3FB3] =	sst s0;
	s0 =	simm.s32 @!p1 $0x0  }
0x14: {  	s2 =	sld [smem:$0x3F97];
	s0 =	simm.s32 @p1 $0x1  }
0x15: {  	[smem:$0x3FB4] =	sst s0;
	s0 =	simm.s32 @!p2 $0x0  }
0x16: {  	s3 =	sld [smem:$0x3FDB];
	s0 =	simm.s32 @p2 $0x1  }
0x17: {  	s4 =	simm.s32 $0x1BF5;
	[smem:$0x3FB6] =	sst s0  }
0x18: {  	s0 =	sld [smem:$0x3F99];
	_ =	swait.ge [sflag:s4], $0x0  }
0x19: {  	s7 =	sld [smem:$0x3F9A]  }
0x1a: {  	s8 =	sadd.s32 $0xFFFFE003, lr  }
0x1b: {  	s9 =	sadd.s32 $0xFFFFFEF7, lr;
	s5 =	simm.s32 $0xFFFFFFFF;
	p2 =	slt.u32 s8, $0xFFFFF086  }
0x1c: {  	p1 =	slt.u32 s9, $0xF7A;
	s5 =	simm.s32 @!p2 $0x0  }
0x1d: {  	s5 =	simm.s32 @p1 $0x1;
	p0 =	seq.s32 s7, s2  }
0x1e: {  	s7 =	smul.u32 @!p0 $0xF7A, s2;
	p2 =	seq.s32 @!p0 s5, $0x0  }
0x1f: {  	s9 =	smul.u32 $0xF7A, s1;
	s8 =	simm.s32 @!p0 $0x1BF5;
	p2 =	por !p2, p0  }
0x20: {  	[sflag:s8] =	ssyncset.s32 @!p0 $0xFFFFF086;
	s6 =	sadd.s32 @!p0 s3, s7;
	s7 =	simm.s32 @!p0 $0x108  }
0x21: {  	s3 =	sadd.s32 s3, s9;
	s6 =	sadd.s32 @!p0 $0x88, s6;
	s7 =	simm.s32 @p2 $0x1082  }
0x22: {  	[simem:s7], [sflag:s8] =	dma.local @!p0 [hbm:s6], $0xF7A  }
0x23: {  	s9 =	sor.u32 $0xD0000000, s2;
	s6 =	simm.s32 $0x108;
	_ =	swait.ge @!p0 [sflag:s8], $0x0  }
0x24: {  	s3 =	sadd.s32 $0x88, s3;
	s6 =	simm.s32 @!p1 $0x1082;
	[sflag:s4] =	ssyncset.s32 $0xFFFFF086  }
0x25: {  	[simem:s6], [sflag:s4] =	dma.local [hbm:s3], $0xF7A  }
0x26: {  	[smem:$0x3F9A] =	sst s1;
	(tag) =	ssettag s2;
	_ =	strace s9  }
0x27: {  	s1 =	sld [smem:$0x3FAA]  }
0x28: {  	s2 =	sld [smem:$0x3FAB]  }
0x29: {  	s4 =	sld [smem:$0x3FAD]  }
0x2a: {  	p0 =	seq.s32 s5, $0x0;
	s5 =	sld [smem:$0x3FAE]  }
0x2b: {  	s6 =	sld [smem:$0x3FAF]  }
0x2c: {  	s7 =	sld [smem:$0x3FB0]  }
0x2d: {  	s3 =	simm.s32 $0x108;
	s8 =	sld [smem:$0x3FB1]  }
0x2e: {  	s3 =	simm.s32 @!p0 $0x1082;
	s9 =	sld [smem:$0x3FB2]  }
0x2f: {  	lr =	sadd.s32 s0, s3;
	s0 =	sld [smem:$0x3FA9]  }
0x30: {  	s3 =	sld [smem:$0x3FAC]  }
0x31: {  	[smem:$0x3FB5] =	sst s10  }
0x32: {  	s10 =	sld [smem:$0x3FB3];
	_ =	sdelay $0x3  }
0x33: {  	p0 =	seq.s32 s10, $0x1;
	s10 =	sld [smem:$0x3FB5];
	_ =	sdelay $0x3  }
0x34: {  	[smem:$0x3FB5] =	sst s10  }
0x35: {  	s10 =	sld [smem:$0x3FB4];
	_ =	sdelay $0x3  }
0x36: {  	p1 =	seq.s32 s10, $0x1;
	s10 =	sld [smem:$0x3FB5];
	_ =	sdelay $0x3  }
0x37: {  	[smem:$0x3FB5] =	sst s10  }
0x38: {  	s10 =	sld [smem:$0x3FB6]  }
0x39: {  	_ = 	snop;
	(pc) =	sbr.ind lr, $3  }
0x3a: {  	_ = 	snop  }
0x3b: {  	_ = 	snop  }
0x3c: {  	p2 =	seq.s32 s10, $0x1;
	s10 =	sld [smem:$0x3FB5]  }
0x3d: {  	_ =	shalt  }
0x3e: {  	_ =	shalt  }
0x3f: {  	_ =	shalt  }
0x40: {  	_ =	shalt  }
0x41: {  	_ =	shalt  }
0x42: {  	_ =	shalt  }
0x43: {  	_ =	shalt  }
0x44: {  	_ =	shalt  }
0x45: {  	_ =	shalt  }
0x46: {  	_ =	shalt  }
0x47: {  	_ =	shalt  }
0x48: {  	_ =	shalt  }
0x49: {  	_ =	shalt  }
0x4a: {  	_ =	shalt  }
0x4b: {  	_ =	shalt  }
0x4c: {  	_ =	shalt  }
0x4d: {  	_ =	shalt  }
0x4e: {  	_ =	shalt  }
0x4f: {  	_ =	shalt  }
0x50: {  	_ =	shalt  }
0x51: {  	_ =	shalt  }
0x52: {  	_ =	shalt  }
0x53: {  	_ =	shalt  }
0x54: {  	_ =	shalt  }
0x55: {  	_ =	shalt  }
0x56: {  	_ =	shalt  }
0x57: {  	_ =	shalt  }
0x58: {  	_ =	shalt  }
0x59: {  	_ =	shalt  }
0x5a: {  	_ =	shalt  }
0x5b: {  	_ =	shalt  }
0x5c: {  	_ =	shalt  }
0x5d: {  	_ =	shalt  }
0x5e: {  	_ =	shalt  }
0x5f: {  	_ =	shalt  }
0x60: {  	_ =	shalt  }
0x61: {  	_ =	shalt  }
0x62: {  	_ =	shalt  }
0x63: {  	_ =	shalt  }
0x64: {  	_ =	shalt  }
0x65: {  	_ =	shalt  }
0x66: {  	_ =	shalt  }
0x67: {  	_ =	shalt  }
0x68: {  	_ =	shalt  }
0x69: {  	_ =	shalt  }
0x6a: {  	_ =	shalt  }
0x6b: {  	_ =	shalt  }
0x6c: {  	_ =	shalt  }
0x6d: {  	_ =	shalt  }
0x6e: {  	_ =	shalt  }
0x6f: {  	_ =	shalt  }
0x70: {  	_ =	shalt  }
0x71: {  	_ =	shalt  }
0x72: {  	_ =	shalt  }
0x73: {  	_ =	shalt  }
0x74: {  	_ =	shalt  }
0x75: {  	_ =	shalt  }
0x76: {  	_ =	shalt  }
0x77: {  	_ =	shalt  }
0x78: {  	_ =	shalt  }
0x79: {  	_ =	shalt  }
0x7a: {  	_ =	shalt  }
0x7b: {  	_ =	shalt  }
0x7c: {  	_ =	shalt  }
0x7d: {  	_ =	shalt  }
0x7e: {  	_ =	shalt  }
0x7f: {  	_ =	shalt  }
0x80: {  	_ =	shalt  }
0x81: {  	_ =	shalt  }
0x82: {  	_ =	shalt  }
0x83: {  	_ =	shalt  }
0x84: {  	_ =	shalt  }
0x85: {  	_ =	shalt  }
0x86: {  	_ =	shalt  }
0x87: {  	_ =	shalt  }
.Lfunc_end0:
.L_simem_size_0:
called_computation.1_lowered:
.L_overlay_start_0:
0x88: {  	s2 =	sld [smem:$0x3FD9]  }
0x89: {  	s3 =	sld [smem:$0x3FFE];
	_ =	sdelay $0x1  }
0x8a: {  	s1 =	srdreg.scid  }
0x8b: {  	s0 =	sand.u32 $0x1, s1  }
0x8c: {  	s17 =	sshll.u32 s0, $0xA;
	s2 =	sadd.s32 s3, s2  }
0x8d: {  	s2 =	sadd.s32 s2, s17  }
0x8e: {  	[smem:$0x3FC1] =	sst s2  }
0x8f: {  	_ = 	snop  }
0x90: {  	s2 =	sld [smem:$0x3FD0];
	(tm) =	ssettm $0x1  }
0x91: {  	s18 =	sld [smem:$0x3FFB];
	_ =	sdelay $0x3  }
0x92: {  	_ =	strace s18  }
0x93: {  	s3 =	sld [smem:$0x3FFC];
	_ =	sdelay $0x3  }
0x94: {  	_ =	strace s3  }
0x95: {  	s3 =	sld [smem:$0x3FFD];
	_ =	sdelay $0x3  }
0x96: {  	_ =	strace s3  }
0x97: {  	_ =	strace $0x8FFFFFFF  }
0x98: {  	s19 =	sld [smem:$0x3FDB];
	_ =	sdelay $0x1  }
0x99: {  	s4 =	simm.s32 $_scs_section_size  }
0x9a: {  	s5 =	simm.s32 $_size__tile_overlayer_lowered;
	s6 =	simm.s32 $_tile_overlayer_lowered  }
0x9b: {  	s22 =	simm.s32 $0x1BFF;
	s21 =	sshll.u32 s6, $0x1;
	s3 =	sadd.s32 s4, s19  }
0x9c: {  	s7 =	simm.s32 $0x0;
	s20 =	sshll.u32 s5, $0x1;
	s5 =	sadd.s32 s21, s3  }
0x9d: {  	[timem:s7], [sflag:s22] =	dma.local [hbm:s5], s20  }
0x9e: {  	_ =	swait.ge [sflag:s22], s20  }
0x9f: {  	s4 =	ssub.s32 $0x0, s20;
	[sflag:s22] =	ssyncset.done $0x0  }
0xa0: {  	[sflag:s22] =	ssyncadd.s32 s4;
	_ =	sdelay $0x1  }
0xa1: {  	s23 =	simm.s32 $0x1B8B  }
0xa2: {  	_ =	swait.ge [sflag:s23], $0x1  }
0xa3: {  	[sflag:s23] =	ssyncset.done $0x0  }
0xa4: {  	s25 =	simm.s32 $0x1B8E;
	s24 =	sld [smem:$0x3FFE];
	[sflag:s23] =	ssyncadd.s32 $0xFFFFFFFF  }
0xa5: {  	s26 =	simm.s32 $execute0_lowered;
	[smem:$0x3FD2] =	sst s25  }
0xa6: {  	s5 =	sshll.u32 s26, $0x1;
	_ =	strace $0x80000049;
	[dreg:$0x1] =	wrdreg $0xFFFFFFFF  }
0xa7: {  	s28 =	simm.s32 $_size_execute0_lowered;
	s3 =	sadd.s32 s3, s5;
	[dreg:$0x0] =	wrdreg $0x0  }
0xa8: {  	s5 =	sshll.u32 s28, $0x1;
	[dreg:$0x2] =	wrdreg s3  }
0xa9: {  	[dreg:$0x3] =	wrdreg s5  }
0xaa: {  	[dreg:$0x4] =	wrdreg $0xC0  }
0xab: {  	_ =	task [dreg:s7], $0x5FFFF  }
0xac: {  	[dreg:$0x1] =	wrdreg $0xFFFFFFFF  }
0xad: {  	[dreg:$0x0] =	wrdreg $0x60  }
0xae: {  	[dreg:$0x2] =	wrdreg s24  }
0xaf: {  	[dreg:$0x3] =	wrdreg s2  }
0xb0: {  	[dreg:$0x4] =	wrdreg $0xA8000  }
0xb1: {  	[dreg:$0x5] =	wrdreg $0x9  }
0xb2: {  	_ =	task.clear_ibuf [dreg:s7], $0x6FFFF;
	_ =	strace $0x90000049  }
0xb3: {  	s29 =	simm.s32 $0x9;
	_ =	strace $0x8000004B  }
0xb4: {  	_ =	swait.ge [sflag:s29], $0x1  }
0xb5: {  	[sflag:s29] =	ssyncadd.s32 $0xFFFFFFFF  }
0xb6: {  	_ =	strace $0x9000004B  }
0xb7: {  	_ =	sfence  }
0xb8: {  	s30 =	sld [smem:$0x0];
	_ =	sdelay $0x2  }
0xb9: {  	s31 =	sshll.u32 s1, $0xD;
	s1 =	sshrl.u32 s1, $0x2  }
0xba: {  	s3 =	sand.u32 $0x4000, s31;
	s1 =	sadd.s32 s1, s30  }
0xbb: {  	s0 =	sor.u32 s3, s0;
	s1 =	sshll.u32 s1, $0x11  }
0xbc: {  	s0 =	sor.u32 s1, s0  }
0xbd: {  	s0 =	sadd.s32 $0x8F2B, s0  }
0xbe: {  	[sflag:s0] =	ssyncadd.remote.s32 $0x1  }
0xbf: {  	_ =	sfence.sel $0xFFFF  }
0xc0: {  	[dreg:$0x0] =	wrdreg $0xFFFFFFFF;
	(pc) =	sbr.abs _section_cstart, $3  }
0xc1: {  	[dreg:$0x1] =	wrdreg $0xFFFFFFFF  }
0xc2: {  	_ =	task.clear_ibuf [dreg:s7], $0x2FFFF;
	_ =	strace $0x9FFFFFFF  }
0xc3: {  	(tm) =	ssettm $0x7FFFFFFF  }
tec
execute0_lowered:
.L_overlay_start_1:
0x0: {  	(tag) =	ssettag $0x1  }
0x1: {  	s0 =	rddreg [dreg:$0x0]  }
0x2: {  	s1 =	rddreg [dreg:$0x1]  }
0x3: {  	s2 =	rddreg [dreg:$0x2];
	s15 =	stileid.u32  }
0x4: {  	s3 =	simm.s32 $0x0;
	s4 =	srdreg.scid;
	s16 =	simm.s32 $0x40  }
0x5: {  	s17 =	simm.s32 $0x2800;
	s18 =	simm.s32 $0x4800;
	s19 =	simm.s32 $0x80  }
0x6: {  	s20 =	simm.s32 $0x6800;
	s21 =	simm.s32 $0xC0;
	s28 =	simm.s32 $0x4  }
0x7: {  	s29 =	simm.s32 $0x6;
	s30 =	simm.s32 $0x2780;
	s31 =	simm.s32 $0x0  }
0x8: {  	s5 =	smul.u32 $0x14000, s15;
	[smem:$0x7FF] =	sst s3;
	s6 =	sand.u32 $0x1, s4  }
0x9: {  	s4 =	sadd.s32 $0xB400, s0;
	s9 =	sadd.s32 $0x1400, s0;
	s22 =	smul.u32 $0x50000, s15  }
0xa: {  	s23 =	sshll.u32 s15, $0x6;
	_ =	strace $0x8000004A;
	s8 =	smul.u32 $0x140000, s6  }
0xb: {  	s10 =	sshll.u32 s6, $0x4;
	s6 =	ssub.s32 $0x2, s6;
	s7 =	sshrl.u32 s5, $0x3  }
0xc: {  	s10 =	sor.u32 s15, s10;
	s11 =	sshrl.u32 s6, $0x1;
	s15 =	simm.s32 $0x1400  }
0xd: {  	s7 =	sadd.s32 s7, s0;
	s5 =	sadd.s32 s5, s8;
	s12 =	smul.u32 $0x2800, s10  }
0xe: {  	s8 =	sshrl.u32 s22, $0x2;
	s13 =	ssub.s32 s6, s11;
	s24 =	smul.u32 $0x500, s10  }
0xf: {  	s6 =	sor.u32 $0x1C07, s23;
	s22 =	simm.s32 $0x8800;
	s23 =	simm.s32 $0x1  }
0x10: {  	s5 =	sshrl.u32 s5, $0x3;
	s14 =	sadd.s32 s8, s2;
	s26 =	sadd.s32 $0x33400, s7  }
0x11: {  	s0 =	sadd.s32 s5, s0;
	s25 =	sshrl.u32 s12, $0x3;
	[dreg:$0x4] =	wrdreg s26  }
0x12: {  	s7 =	sadd.s32 s9, s24;
	s8 =	sadd.s32 s1, s24;
	s12 =	smax.u32 s13, $0x1  }
0x13: {  	s13 =	sshrl.u32 s14, $0x3;
	s14 =	simm.s32 $0x7;
	s24 =	simm.s32 $0x2  }
0x14: {  	s26 =	simm.s32 $0x3;
	s10 =	sadd.s32 $0x280, s25;
	s11 =	sadd.s32 $0x5B400, s0  }
0x15: {  	s25 =	simm.s32 $0x5;
	s9 =	sadd.s32 s9, s10;
	s10 =	sadd.s32 s1, s10  }
.LBB2_1:
0x16: {  	s0 =	rddreg [dreg:$0x4]  }
0x17: {  	[spmem:s13], [sflag:s6] =	dma.local [hbm:s0], $0x2800  }
0x18: {  	_ =	swait.ge [sflag:s14], $0x2800  }
0x19: {  	[sflag:s14] =	ssyncset.done $0x0  }
0x1a: {  	[sflag:s14] =	ssyncadd.s32 $0xFFFFD800  }
0x1b: {  	[tilespmem:s3], [sflag:$0x7] =	stream.linear.gather [hbm4b:s7+s3], $0x1400, $0x38;
	[tilespmem:$0x1E800] =	vst v63  }
0x1c: {  	_ =	swait.ge [sflag:s14], $0x1400  }
0x1d: {  	[sflag:s14] =	ssyncset.done $0x0  }
0x1e: {  	[sflag:s14] =	ssyncadd.s32 $0xFFFFEC00  }
0x1f: {  	[tilespmem:s15], [sflag:$0x7] =	stream.linear.gather [hbm4b:s8+s3], $0x1400, $0x38;
	[tilespmem:$0x1E800] =	vst v63  }
0x20: {  	_ =	swait.ge [sflag:s14], $0x1400  }
0x21: {  	[sflag:s14] =	ssyncset.done $0x0  }
0x22: {  	[sflag:s14] =	ssyncadd.s32 $0xFFFFEC00  }
0x23: {  	[bflag:$0x0] =	sbarrier.arrive $0xFFFF  }
0x24: {  	[tilespmem:s17], [sflag:$0x1] =	stream.indirect.gather [hbm4b:s4+s16], $0x80, s3, s16, $0xb8;
	[tilespmem:$0x1E800] =	vst v63  }
0x25: {  	_ = 	snop  }
0x26: {  	[tilespmem:s18], [sflag:$0x2] =	stream.indirect.gather [hbm4b:s4+s16], $0x80, s16, s16, $0xb8;
	[tilespmem:$0x1E800] =	vst v63  }
0x27: {  	_ = 	snop  }
0x28: {  	[tilespmem:s20], [sflag:$0x3] =	stream.indirect.gather [hbm4b:s4+s16], $0x80, s19, s16, $0xb8;
	[tilespmem:$0x1E800] =	vst v63  }
0x29: {  	_ = 	snop  }
0x2a: {  	[tilespmem:s22], [sflag:$0x4] =	stream.indirect.gather [hbm4b:s4+s16], $0x80, s21, s16, $0xb8;
	[tilespmem:$0x1E800] =	vst v63  }
0x2b: {  	_ =	swait.ge [sflag:s23], $0x2000  }
0x2c: {  	[sflag:s23] =	ssyncset.done $0x0  }
0x2d: {  	[sflag:s23] =	ssyncadd.s32 $0xFFFFE000  }
0x2e: {  	_ =	swait.ge [sflag:s24], $0x2000  }
0x2f: {  	[sflag:s24] =	ssyncset.done $0x0  }
0x30: {  	[sflag:s24] =	ssyncadd.s32 $0xFFFFE000  }
0x31: {  	[spmem:s2] =	stream.indirect.scatter.add.f32 [tilespmem:s17], [sflag:$0x5], $0x80, s15, s19, $0xb8;
	[tilespmem:$0x1E800] =	vst v63  }
0x32: {  	_ =	swait.ge [sflag:s25], $0x4000  }
0x33: {  	[sflag:s25] =	ssyncset.done $0x0  }
0x34: {  	s5 =	simm.s32 $0x100;
	[sflag:s25] =	ssyncadd.s32 $0xFFFFC000  }
0x35: {  	[tilespmem:s17], [sflag:$0x1] =	stream.indirect.gather [hbm4b:s4+s16], $0x80, s5, s16, $0xb8;
	[tilespmem:$0x1E800] =	vst v63  }
0x36: {  	s1 =	simm.s32 $0x140  }
0x37: {  	[tilespmem:s18], [sflag:$0x2] =	stream.indirect.gather [hbm4b:s4+s16], $0x80, s1, s16, $0xb8;
	[tilespmem:$0x1E800] =	vst v63  }
0x38: {  	_ =	swait.ge [sflag:s26], $0x2000  }
0x39: {  	[sflag:s26] =	ssyncset.done $0x0  }
0x3a: {  	[sflag:s26] =	ssyncadd.s32 $0xFFFFE000  }
0x3b: {  	_ =	swait.ge [sflag:s28], $0x2000  }
0x3c: {  	[sflag:s28] =	ssyncset.done $0x0  }
0x3d: {  	s5 =	simm.s32 $0x1480;
	[sflag:s28] =	ssyncadd.s32 $0xFFFFE000  }
0x3e: {  	[spmem:s2] =	stream.indirect.scatter.add.f32 [tilespmem:s20], [sflag:$0x6], $0x80, s5, s19, $0xb8;
	[tilespmem:$0x1E800] =	vst v63  }
0x3f: {  	_ =	swait.ge [sflag:s29], $0x4000  }
0x40: {  	[sflag:s29] =	ssyncset.done $0x0  }
0x41: {  	s1 =	simm.s32 $0x180;
	[sflag:s29] =	ssyncadd.s32 $0xFFFFC000  }
0x42: {  	[tilespmem:s20], [sflag:$0x3] =	stream.indirect.gather [hbm4b:s4+s16], $0x80, s1, s16, $0xb8;
	[tilespmem:$0x1E800] =	vst v63  }
0x43: {  	s5 =	simm.s32 $0x1C0  }
0x44: {  	[tilespmem:s22], [sflag:$0x4] =	stream.indirect.gather [hbm4b:s4+s16], $0x80, s5, s16, $0xb8;
	[tilespmem:$0x1E800] =	vst v63  }
0x45: {  	_ =	swait.ge [sflag:s23], $0x2000  }
0x46: {  	[sflag:s23] =	ssyncset.done $0x0  }
0x47: {  	[sflag:s23] =	ssyncadd.s32 $0xFFFFE000  }
0x48: {  	_ =	swait.ge [sflag:s24], $0x2000  }
0x49: {  	[sflag:s24] =	ssyncset.done $0x0  }
0x4a: {  	s0 =	simm.s32 $0x400;
	s1 =	simm.s32 $0x1500;
	[sflag:s24] =	ssyncadd.s32 $0xFFFFE000  }
.LBB2_2:
0x4b: {  	[spmem:s2] =	stream.indirect.scatter.add.f32 [tilespmem:s17], [sflag:$0x5], $0x80, s1, s19, $0xb8;
	[tilespmem:$0x1E800] =	vst v63  }
0x4c: {  	s1 =	smov.u32 s0  }
0x4d: {  	p0 =	sne.s32 s0, $0x4800;
	s0 =	sadd.s32 $0x400, s0;
	_ =	swait.ge [sflag:s25], $0x4000  }
0x4e: {  	s1 =	sshra.s32 s1, $0x2;
	[sflag:s25] =	ssyncset.done $0x0  }
0x4f: {  	s5 =	sadd.s32 $0x100, s1;
	[sflag:s25] =	ssyncadd.s32 $0xFFFFC000  }
0x50: {  	[tilespmem:s17], [sflag:$0x1] =	stream.indirect.gather [hbm4b:s4+s16], $0x80, s5, s16, $0xb8;
	[tilespmem:$0x1E800] =	vst v63  }
0x51: {  	s5 =	sadd.s32 $0x140, s1  }
0x52: {  	[tilespmem:s18], [sflag:$0x2] =	stream.indirect.gather [hbm4b:s4+s16], $0x80, s5, s16, $0xb8;
	[tilespmem:$0x1E800] =	vst v63  }
0x53: {  	_ =	swait.ge [sflag:s26], $0x2000  }
0x54: {  	[sflag:s26] =	ssyncset.done $0x0  }
0x55: {  	[sflag:s26] =	ssyncadd.s32 $0xFFFFE000  }
0x56: {  	_ =	swait.ge [sflag:s28], $0x2000  }
0x57: {  	[sflag:s28] =	ssyncset.done $0x0  }
0x58: {  	s5 =	sadd.s32 $0x1480, s1;
	[sflag:s28] =	ssyncadd.s32 $0xFFFFE000  }
0x59: {  	[spmem:s2] =	stream.indirect.scatter.add.f32 [tilespmem:s20], [sflag:$0x6], $0x80, s5, s19, $0xb8;
	[tilespmem:$0x1E800] =	vst v63  }
0x5a: {  	_ =	swait.ge [sflag:s29], $0x4000  }
0x5b: {  	[sflag:s29] =	ssyncset.done $0x0  }
0x5c: {  	s5 =	sadd.s32 $0x180, s1;
	[sflag:s29] =	ssyncadd.s32 $0xFFFFC000  }
0x5d: {  	[tilespmem:s20], [sflag:$0x3] =	stream.indirect.gather [hbm4b:s4+s16], $0x80, s5, s16, $0xb8;
	[tilespmem:$0x1E800] =	vst v63  }
0x5e: {  	s5 =	sadd.s32 $0x1C0, s1  }
0x5f: {  	[tilespmem:s22], [sflag:$0x4] =	stream.indirect.gather [hbm4b:s4+s16], $0x80, s5, s16, $0xb8;
	[tilespmem:$0x1E800] =	vst v63  }
0x60: {  	_ =	swait.ge [sflag:s23], $0x2000  }
.Ltmp0:
0x61: {  	[sflag:s23] =	ssyncset.done $0x0;
	(pc) =	sbr.rel @p0 .LBB2_2-.Ltmp0, $4  }
0x62: {  	[sflag:s23] =	ssyncadd.s32 $0xFFFFE000  }
0x63: {  	_ =	swait.ge [sflag:s24], $0x2000  }
0x64: {  	[sflag:s24] =	ssyncset.done $0x0  }
0x65: {  	s1 =	sadd.s32 $0x1500, s1;
	[sflag:s24] =	ssyncadd.s32 $0xFFFFE000  }
0x66: {  	[spmem:s2] =	stream.indirect.scatter.add.f32 [tilespmem:s17], [sflag:$0x5], $0x80, s1, s19, $0xb8;
	[tilespmem:$0x1E800] =	vst v63  }
0x67: {  	_ =	swait.ge [sflag:s26], $0x2000  }
0x68: {  	[sflag:s26] =	ssyncset.done $0x0  }
0x69: {  	[sflag:s26] =	ssyncadd.s32 $0xFFFFE000  }
0x6a: {  	_ =	swait.ge [sflag:s28], $0x2000  }
0x6b: {  	[sflag:s28] =	ssyncset.done $0x0  }
0x6c: {  	[sflag:s28] =	ssyncadd.s32 $0xFFFFE000  }
0x6d: {  	[spmem:s2] =	stream.indirect.scatter.add.f32 [tilespmem:s20], [sflag:$0x6], $0x80, s30, s19, $0xb8;
	[tilespmem:$0x1E800] =	vst v63  }
0x6e: {  	_ =	swait.ge [sflag:s25], $0x4000  }
0x6f: {  	[sflag:s25] =	ssyncset.done $0x0  }
0x70: {  	[sflag:s25] =	ssyncadd.s32 $0xFFFFC000  }
0x71: {  	_ =	swait.ge [sflag:s29], $0x4000  }
0x72: {  	[sflag:s29] =	ssyncset.done $0x0  }
0x73: {  	s0 =	simm.s32 $0x0;
	[sflag:s29] =	ssyncadd.s32 $0xFFFFC000  }
0x74: {  	[tilespmem:s0], [sflag:$0x7] =	stream.linear.gather [hbm4b:s9+s0], $0x1400, $0x38;
	[tilespmem:$0x1E800] =	vst v63  }
0x75: {  	_ =	swait.ge [sflag:s14], $0x1400  }
0x76: {  	[sflag:s14] =	ssyncset.done $0x0  }
0x77: {  	[sflag:s14] =	ssyncadd.s32 $0xFFFFEC00  }
0x78: {  	[tilespmem:s15], [sflag:$0x7] =	stream.linear.gather [hbm4b:s10+s0], $0x1400, $0x38;
	[tilespmem:$0x1E800] =	vst v63  }
0x79: {  	_ =	swait.ge [sflag:s14], $0x1400  }
0x7a: {  	[sflag:s14] =	ssyncset.done $0x0  }
0x7b: {  	[sflag:s14] =	ssyncadd.s32 $0xFFFFEC00  }
0x7c: {  	[tilespmem:s17], [sflag:$0x1] =	stream.indirect.gather [hbm4b:s4+s16], $0x80, s0, s16, $0xb8;
	[tilespmem:$0x1E800] =	vst v63  }
0x7d: {  	_ = 	snop  }
0x7e: {  	[tilespmem:s18], [sflag:$0x2] =	stream.indirect.gather [hbm4b:s4+s16], $0x80, s16, s16, $0xb8;
	[tilespmem:$0x1E800] =	vst v63  }
0x7f: {  	_ = 	snop  }
0x80: {  	[tilespmem:s20], [sflag:$0x3] =	stream.indirect.gather [hbm4b:s4+s16], $0x80, s19, s16, $0xb8;
	[tilespmem:$0x1E800] =	vst v63  }
0x81: {  	_ = 	snop  }
0x82: {  	[tilespmem:s22], [sflag:$0x4] =	stream.indirect.gather [hbm4b:s4+s16], $0x80, s21, s16, $0xb8;
	[tilespmem:$0x1E800] =	vst v63  }
0x83: {  	_ =	swait.ge [sflag:s23], $0x2000  }
0x84: {  	[sflag:s23] =	ssyncset.done $0x0  }
0x85: {  	[sflag:s23] =	ssyncadd.s32 $0xFFFFE000  }
0x86: {  	_ =	swait.ge [sflag:s24], $0x2000  }
0x87: {  	[sflag:s24] =	ssyncset.done $0x0  }
0x88: {  	[sflag:s24] =	ssyncadd.s32 $0xFFFFE000  }
0x89: {  	[spmem:s2] =	stream.indirect.scatter.add.f32 [tilespmem:s17], [sflag:$0x5], $0x80, s15, s19, $0xb8;
	[tilespmem:$0x1E800] =	vst v63  }
0x8a: {  	_ =	swait.ge [sflag:s25], $0x4000  }
0x8b: {  	[sflag:s25] =	ssyncset.done $0x0  }
0x8c: {  	s5 =	simm.s32 $0x100;
	[sflag:s25] =	ssyncadd.s32 $0xFFFFC000  }
0x8d: {  	[tilespmem:s17], [sflag:$0x1] =	stream.indirect.gather [hbm4b:s4+s16], $0x80, s5, s16, $0xb8;
	[tilespmem:$0x1E800] =	vst v63  }
0x8e: {  	s1 =	simm.s32 $0x140  }
0x8f: {  	[tilespmem:s18], [sflag:$0x2] =	stream.indirect.gather [hbm4b:s4+s16], $0x80, s1, s16, $0xb8;
	[tilespmem:$0x1E800] =	vst v63  }
0x90: {  	_ =	swait.ge [sflag:s26], $0x2000  }
0x91: {  	[sflag:s26] =	ssyncset.done $0x0  }
0x92: {  	[sflag:s26] =	ssyncadd.s32 $0xFFFFE000  }
0x93: {  	_ =	swait.ge [sflag:s28], $0x2000  }
0x94: {  	[sflag:s28] =	ssyncset.done $0x0  }
0x95: {  	s5 =	simm.s32 $0x1480;
	[sflag:s28] =	ssyncadd.s32 $0xFFFFE000  }
0x96: {  	[spmem:s2] =	stream.indirect.scatter.add.f32 [tilespmem:s20], [sflag:$0x6], $0x80, s5, s19, $0xb8;
	[tilespmem:$0x1E800] =	vst v63  }
0x97: {  	_ =	swait.ge [sflag:s29], $0x4000  }
0x98: {  	[sflag:s29] =	ssyncset.done $0x0  }
0x99: {  	s1 =	simm.s32 $0x180;
	[sflag:s29] =	ssyncadd.s32 $0xFFFFC000  }
0x9a: {  	[tilespmem:s20], [sflag:$0x3] =	stream.indirect.gather [hbm4b:s4+s16], $0x80, s1, s16, $0xb8;
	[tilespmem:$0x1E800] =	vst v63  }
0x9b: {  	s5 =	simm.s32 $0x1C0  }
0x9c: {  	[tilespmem:s22], [sflag:$0x4] =	stream.indirect.gather [hbm4b:s4+s16], $0x80, s5, s16, $0xb8;
	[tilespmem:$0x1E800] =	vst v63  }
0x9d: {  	_ =	swait.ge [sflag:s23], $0x2000  }
0x9e: {  	[sflag:s23] =	ssyncset.done $0x0  }
0x9f: {  	[sflag:s23] =	ssyncadd.s32 $0xFFFFE000  }
0xa0: {  	_ =	swait.ge [sflag:s24], $0x2000  }
0xa1: {  	[sflag:s24] =	ssyncset.done $0x0  }
0xa2: {  	s0 =	simm.s32 $0x400;
	s1 =	simm.s32 $0x1500;
	[sflag:s24] =	ssyncadd.s32 $0xFFFFE000  }
.LBB2_4:
0xa3: {  	[spmem:s2] =	stream.indirect.scatter.add.f32 [tilespmem:s17], [sflag:$0x5], $0x80, s1, s19, $0xb8;
	[tilespmem:$0x1E800] =	vst v63  }
0xa4: {  	s1 =	smov.u32 s0  }
0xa5: {  	p0 =	sne.s32 s0, $0x4800;
	s0 =	sadd.s32 $0x400, s0;
	_ =	swait.ge [sflag:s25], $0x4000  }
0xa6: {  	s1 =	sshra.s32 s1, $0x2;
	[sflag:s25] =	ssyncset.done $0x0  }
0xa7: {  	s5 =	sadd.s32 $0x100, s1;
	[sflag:s25] =	ssyncadd.s32 $0xFFFFC000  }
0xa8: {  	[tilespmem:s17], [sflag:$0x1] =	stream.indirect.gather [hbm4b:s4+s16], $0x80, s5, s16, $0xb8;
	[tilespmem:$0x1E800] =	vst v63  }
0xa9: {  	s5 =	sadd.s32 $0x140, s1  }
0xaa: {  	[tilespmem:s18], [sflag:$0x2] =	stream.indirect.gather [hbm4b:s4+s16], $0x80, s5, s16, $0xb8;
	[tilespmem:$0x1E800] =	vst v63  }
0xab: {  	_ =	swait.ge [sflag:s26], $0x2000  }
0xac: {  	[sflag:s26] =	ssyncset.done $0x0  }
0xad: {  	[sflag:s26] =	ssyncadd.s32 $0xFFFFE000  }
0xae: {  	_ =	swait.ge [sflag:s28], $0x2000  }
0xaf: {  	[sflag:s28] =	ssyncset.done $0x0  }
0xb0: {  	s5 =	sadd.s32 $0x1480, s1;
	[sflag:s28] =	ssyncadd.s32 $0xFFFFE000  }
0xb1: {  	[spmem:s2] =	stream.indirect.scatter.add.f32 [tilespmem:s20], [sflag:$0x6], $0x80, s5, s19, $0xb8;
	[tilespmem:$0x1E800] =	vst v63  }
0xb2: {  	_ =	swait.ge [sflag:s29], $0x4000  }
0xb3: {  	[sflag:s29] =	ssyncset.done $0x0  }
0xb4: {  	s5 =	sadd.s32 $0x180, s1;
	[sflag:s29] =	ssyncadd.s32 $0xFFFFC000  }
0xb5: {  	[tilespmem:s20], [sflag:$0x3] =	stream.indirect.gather [hbm4b:s4+s16], $0x80, s5, s16, $0xb8;
	[tilespmem:$0x1E800] =	vst v63  }
0xb6: {  	s5 =	sadd.s32 $0x1C0, s1  }
0xb7: {  	[tilespmem:s22], [sflag:$0x4] =	stream.indirect.gather [hbm4b:s4+s16], $0x80, s5, s16, $0xb8;
	[tilespmem:$0x1E800] =	vst v63  }
0xb8: {  	_ =	swait.ge [sflag:s23], $0x2000  }
.Ltmp1:
0xb9: {  	[sflag:s23] =	ssyncset.done $0x0;
	(pc) =	sbr.rel @p0 .LBB2_4-.Ltmp1, $4  }
0xba: {  	[sflag:s23] =	ssyncadd.s32 $0xFFFFE000  }
0xbb: {  	_ =	swait.ge [sflag:s24], $0x2000  }
0xbc: {  	[sflag:s24] =	ssyncset.done $0x0  }
0xbd: {  	s1 =	sadd.s32 $0x1500, s1;
	[sflag:s24] =	ssyncadd.s32 $0xFFFFE000  }
0xbe: {  	[spmem:s2] =	stream.indirect.scatter.add.f32 [tilespmem:s17], [sflag:$0x5], $0x80, s1, s19, $0xb8;
	[tilespmem:$0x1E800] =	vst v63  }
0xbf: {  	_ =	swait.ge [sflag:s26], $0x2000  }
0xc0: {  	[sflag:s26] =	ssyncset.done $0x0  }
0xc1: {  	[sflag:s26] =	ssyncadd.s32 $0xFFFFE000  }
0xc2: {  	_ =	swait.ge [sflag:s28], $0x2000  }
0xc3: {  	[sflag:s28] =	ssyncset.done $0x0  }
0xc4: {  	[sflag:s28] =	ssyncadd.s32 $0xFFFFE000  }
0xc5: {  	[spmem:s2] =	stream.indirect.scatter.add.f32 [tilespmem:s20], [sflag:$0x6], $0x80, s30, s19, $0xb8;
	[tilespmem:$0x1E800] =	vst v63  }
0xc6: {  	_ =	swait.ge [sflag:s25], $0x4000  }
0xc7: {  	[sflag:s25] =	ssyncset.done $0x0  }
0xc8: {  	[sflag:s25] =	ssyncadd.s32 $0xFFFFC000  }
0xc9: {  	_ =	swait.ge [sflag:s29], $0x4000  }
0xca: {  	s31 =	sadd.s32 $0x1, s31;
	[sflag:s29] =	ssyncset.done $0x0  }
0xcb: {  	p0 =	sne.s32 s31, s12;
	[sflag:s29] =	ssyncadd.s32 $0xFFFFC000  }
.Ltmp2:
0xcc: {  	[bflag:$0x0] =	sbarrier.arrive $0xFFFF;
	(pc) =	sbr.rel @p0 .LBB2_1-.Ltmp2, $4  }
0xcd: {  	[hbm:s11], [sflag:s6] =	dma.local [spmem:s13], $0x2800  }
0xce: {  	_ =	swait.ge [sflag:s14], $0x2800  }
0xcf: {  	[sflag:s14] =	ssyncset.done $0x0  }
0xd0: {  	[sflag:s14] =	ssyncadd.s32 $0xFFFFD800  }
0xd1: {  	_ =	sfence.sel $0x180000  }
0xd2: {  	[bflag:$0x0] =	sbarrier.arrive $0xFFFF  }
0xd3: {  	_ =	strace $0x9000004A  }
0xd4: {  	s0 =	stileid.u32;
	[bflag:$0x2] =	sbarrier.arrive $0xFFFF  }
0xd5: {  	p0 =	sne.s32 s0, $0x0;
	s0 =	rddreg [dreg:$0x3]  }
0xd6: {  	s0 =	sadd.s32 @!p0 $0x100000, s0  }
0xd7: {  	[sflag:s0] =	ssyncadd.tile.s32 @!p0 $0x1;
	_ =	shalt  }
.Lfunc_end2:
_tile_overlayer_lowered:
.L_overlay_start_2:
0xd8: {  	(tag) =	ssettag $0x2  }
0xd9: {  	s0 =	rddreg [dreg:$0x0];
	s2 =	stileid.u32  }
0xda: {  	s1 =	rddreg [dreg:$0x1];
	p0 =	sne.s32 s2, $0x0  }
0xdb: {  	s3 =	rddreg [dreg:$0x2];
	[bflag:$0x3] =	sbarrier.arrive $0xFFFF;
	s2 =	simm.s32 @!p0 $0x1C07  }
0xdc: {  	[timem:s3], [sflag:s2] =	dma.local @!p0 [hbm:s0], s1  }
0xdd: {  	s0 =	simm.s32 @!p0 $0x7  }
0xde: {  	_ =	swait.ge @!p0 [sflag:s0], s1  }
0xdf: {  	s1 =	ssub.s32 @!p0 $0x0, s1;
	[sflag:s0] =	ssyncset.done @!p0 $0x0  }
0xe0: {  	[sflag:s0] =	ssyncadd.s32 @!p0 s1  }
0xe1: {  	[bflag:$0x3] =	sbarrier.arrive $0xFFFF  }
0xe2: {  	_ =	shalt  }

// kernel: kernel.7.cloned.1.call-start
scs
__scs_entry_jumppad:
0x0: {  	(pc) =	sbr.rel $0x88, $3  }
0x1: {  	(tag) =	ssettag $0x0;
	lr =	simm.s32 $0x1  }
0x2: {  	[smem:$0x3F9A] =	sst lr;
	_ =	strace $0xD0000000  }
0x3: {  	_ = 	snop  }
0x4: {  	_ = 	snop  }
0x5: {  	_ = 	snop  }
0x6: {  	_ = 	snop  }
0x7: {  	_ = 	snop  }
__scs_overlays_trampoline_lowered:
0x8: {  	[smem:$0x3FA9] =	sst s0  }
0x9: {  	[smem:$0x3FAA] =	sst s1  }
0xa: {  	[smem:$0x3FAB] =	sst s2  }
0xb: {  	[smem:$0x3FAC] =	sst s3  }
0xc: {  	[smem:$0x3FAD] =	sst s4  }
0xd: {  	[smem:$0x3FAE] =	sst s5  }
0xe: {  	[smem:$0x3FAF] =	sst s6  }
0xf: {  	[smem:$0x3FB0] =	sst s7  }
0x10: {  	[smem:$0x3FB1] =	sst s8  }
0x11: {  	[smem:$0x3FB2] =	sst s9;
	s0 =	simm.s32 @!p0 $0x0  }
0x12: {  	s1 =	sld [smem:$0x3F98];
	s0 =	simm.s32 @p0 $0x1  }
0x13: {  	[smem:$0x3FB3] =	sst s0;
	s0 =	simm.s32 @!p1 $0x0  }
0x14: {  	s2 =	sld [smem:$0x3F97];
	s0 =	simm.s32 @p1 $0x1  }
0x15: {  	[smem:$0x3FB4] =	sst s0;
	s0 =	simm.s32 @!p2 $0x0  }
0x16: {  	s3 =	sld [smem:$0x3FDB];
	s0 =	simm.s32 @p2 $0x1  }
0x17: {  	s4 =	simm.s32 $0x1BF5;
	[smem:$0x3FB6] =	sst s0  }
0x18: {  	s0 =	sld [smem:$0x3F99];
	_ =	swait.ge [sflag:s4], $0x0  }
0x19: {  	s7 =	sld [smem:$0x3F9A]  }
0x1a: {  	s8 =	sadd.s32 $0xFFFFE003, lr  }
0x1b: {  	s9 =	sadd.s32 $0xFFFFFEF7, lr;
	s5 =	simm.s32 $0xFFFFFFFF;
	p2 =	slt.u32 s8, $0xFFFFF086  }
0x1c: {  	p1 =	slt.u32 s9, $0xF7A;
	s5 =	simm.s32 @!p2 $0x0  }
0x1d: {  	s5 =	simm.s32 @p1 $0x1;
	p0 =	seq.s32 s7, s2  }
0x1e: {  	s7 =	smul.u32 @!p0 $0xF7A, s2;
	p2 =	seq.s32 @!p0 s5, $0x0  }
0x1f: {  	s9 =	smul.u32 $0xF7A, s1;
	s8 =	simm.s32 @!p0 $0x1BF5;
	p2 =	por !p2, p0  }
0x20: {  	[sflag:s8] =	ssyncset.s32 @!p0 $0xFFFFF086;
	s6 =	sadd.s32 @!p0 s3, s7;
	s7 =	simm.s32 @!p0 $0x108  }
0x21: {  	s3 =	sadd.s32 s3, s9;
	s6 =	sadd.s32 @!p0 $0x88, s6;
	s7 =	simm.s32 @p2 $0x1082  }
0x22: {  	[simem:s7], [sflag:s8] =	dma.local @!p0 [hbm:s6], $0xF7A  }
0x23: {  	s9 =	sor.u32 $0xD0000000, s2;
	s6 =	simm.s32 $0x108;
	_ =	swait.ge @!p0 [sflag:s8], $0x0  }
0x24: {  	s3 =	sadd.s32 $0x88, s3;
	s6 =	simm.s32 @!p1 $0x1082;
	[sflag:s4] =	ssyncset.s32 $0xFFFFF086  }
0x25: {  	[simem:s6], [sflag:s4] =	dma.local [hbm:s3], $0xF7A  }
0x26: {  	[smem:$0x3F9A] =	sst s1;
	(tag) =	ssettag s2;
	_ =	strace s9  }
0x27: {  	s1 =	sld [smem:$0x3FAA]  }
0x28: {  	s2 =	sld [smem:$0x3FAB]  }
0x29: {  	s4 =	sld [smem:$0x3FAD]  }
0x2a: {  	p0 =	seq.s32 s5, $0x0;
	s5 =	sld [smem:$0x3FAE]  }
0x2b: {  	s6 =	sld [smem:$0x3FAF]  }
0x2c: {  	s7 =	sld [smem:$0x3FB0]  }
0x2d: {  	s3 =	simm.s32 $0x108;
	s8 =	sld [smem:$0x3FB1]  }
0x2e: {  	s3 =	simm.s32 @!p0 $0x1082;
	s9 =	sld [smem:$0x3FB2]  }
0x2f: {  	lr =	sadd.s32 s0, s3;
	s0 =	sld [smem:$0x3FA9]  }
0x30: {  	s3 =	sld [smem:$0x3FAC]  }
0x31: {  	[smem:$0x3FB5] =	sst s10  }
0x32: {  	s10 =	sld [smem:$0x3FB3];
	_ =	sdelay $0x3  }
0x33: {  	p0 =	seq.s32 s10, $0x1;
	s10 =	sld [smem:$0x3FB5];
	_ =	sdelay $0x3  }
0x34: {  	[smem:$0x3FB5] =	sst s10  }
0x35: {  	s10 =	sld [smem:$0x3FB4];
	_ =	sdelay $0x3  }
0x36: {  	p1 =	seq.s32 s10, $0x1;
	s10 =	sld [smem:$0x3FB5];
	_ =	sdelay $0x3  }
0x37: {  	[smem:$0x3FB5] =	sst s10  }
0x38: {  	s10 =	sld [smem:$0x3FB6]  }
0x39: {  	_ = 	snop;
	(pc) =	sbr.ind lr, $3  }
0x3a: {  	_ = 	snop  }
0x3b: {  	_ = 	snop  }
0x3c: {  	p2 =	seq.s32 s10, $0x1;
	s10 =	sld [smem:$0x3FB5]  }
0x3d: {  	_ =	shalt  }
0x3e: {  	_ =	shalt  }
0x3f: {  	_ =	shalt  }
0x40: {  	_ =	shalt  }
0x41: {  	_ =	shalt  }
0x42: {  	_ =	shalt  }
0x43: {  	_ =	shalt  }
0x44: {  	_ =	shalt  }
0x45: {  	_ =	shalt  }
0x46: {  	_ =	shalt  }
0x47: {  	_ =	shalt  }
0x48: {  	_ =	shalt  }
0x49: {  	_ =	shalt  }
0x4a: {  	_ =	shalt  }
0x4b: {  	_ =	shalt  }
0x4c: {  	_ =	shalt  }
0x4d: {  	_ =	shalt  }
0x4e: {  	_ =	shalt  }
0x4f: {  	_ =	shalt  }
0x50: {  	_ =	shalt  }
0x51: {  	_ =	shalt  }
0x52: {  	_ =	shalt  }
0x53: {  	_ =	shalt  }
0x54: {  	_ =	shalt  }
0x55: {  	_ =	shalt  }
0x56: {  	_ =	shalt  }
0x57: {  	_ =	shalt  }
0x58: {  	_ =	shalt  }
0x59: {  	_ =	shalt  }
0x5a: {  	_ =	shalt  }
0x5b: {  	_ =	shalt  }
0x5c: {  	_ =	shalt  }
0x5d: {  	_ =	shalt  }
0x5e: {  	_ =	shalt  }
0x5f: {  	_ =	shalt  }
0x60: {  	_ =	shalt  }
0x61: {  	_ =	shalt  }
0x62: {  	_ =	shalt  }
0x63: {  	_ =	shalt  }
0x64: {  	_ =	shalt  }
0x65: {  	_ =	shalt  }
0x66: {  	_ =	shalt  }
0x67: {  	_ =	shalt  }
0x68: {  	_ =	shalt  }
0x69: {  	_ =	shalt  }
0x6a: {  	_ =	shalt  }
0x6b: {  	_ =	shalt  }
0x6c: {  	_ =	shalt  }
0x6d: {  	_ =	shalt  }
0x6e: {  	_ =	shalt  }
0x6f: {  	_ =	shalt  }
0x70: {  	_ =	shalt  }
0x71: {  	_ =	shalt  }
0x72: {  	_ =	shalt  }
0x73: {  	_ =	shalt  }
0x74: {  	_ =	shalt  }
0x75: {  	_ =	shalt  }
0x76: {  	_ =	shalt  }
0x77: {  	_ =	shalt  }
0x78: {  	_ =	shalt  }
0x79: {  	_ =	shalt  }
0x7a: {  	_ =	shalt  }
0x7b: {  	_ =	shalt  }
0x7c: {  	_ =	shalt  }
0x7d: {  	_ =	shalt  }
0x7e: {  	_ =	shalt  }
0x7f: {  	_ =	shalt  }
0x80: {  	_ =	shalt  }
0x81: {  	_ =	shalt  }
0x82: {  	_ =	shalt  }
0x83: {  	_ =	shalt  }
0x84: {  	_ =	shalt  }
0x85: {  	_ =	shalt  }
0x86: {  	_ =	shalt  }
0x87: {  	_ =	shalt  }
.Lfunc_end0:
.L_simem_size_0:
called_computation_lowered:
.L_overlay_start_0:
0x88: {  	s2 =	sld [smem:$0x3FD9]  }
0x89: {  	s3 =	sld [smem:$0x3FFE];
	_ =	sdelay $0x1  }
0x8a: {  	s1 =	srdreg.scid  }
0x8b: {  	s0 =	sand.u32 $0x1, s1  }
0x8c: {  	s17 =	sshll.u32 s0, $0xA;
	s2 =	sadd.s32 s3, s2  }
0x8d: {  	s2 =	sadd.s32 s2, s17  }
0x8e: {  	[smem:$0x3FC1] =	sst s2  }
0x8f: {  	_ = 	snop  }
0x90: {  	s2 =	sld [smem:$0x3FD0];
	(tm) =	ssettm $0x1  }
0x91: {  	s18 =	sld [smem:$0x3FFB];
	_ =	sdelay $0x3  }
0x92: {  	_ =	strace s18  }
0x93: {  	s3 =	sld [smem:$0x3FFC];
	_ =	sdelay $0x3  }
0x94: {  	_ =	strace s3  }
0x95: {  	s3 =	sld [smem:$0x3FFD];
	_ =	sdelay $0x3  }
0x96: {  	_ =	strace s3  }
0x97: {  	_ =	strace $0x8FFFFFFF  }
0x98: {  	s19 =	sld [smem:$0x3FDB];
	_ =	sdelay $0x1  }
0x99: {  	s4 =	simm.s32 $_scs_section_size  }
0x9a: {  	s5 =	simm.s32 $_size__tile_overlayer_lowered;
	s6 =	simm.s32 $_tile_overlayer_lowered  }
0x9b: {  	s22 =	simm.s32 $0x1BFF;
	s21 =	sshll.u32 s6, $0x1;
	s3 =	sadd.s32 s4, s19  }
0x9c: {  	s7 =	simm.s32 $0x0;
	s20 =	sshll.u32 s5, $0x1;
	s5 =	sadd.s32 s21, s3  }
0x9d: {  	[timem:s7], [sflag:s22] =	dma.local [hbm:s5], s20  }
0x9e: {  	_ =	swait.ge [sflag:s22], s20  }
0x9f: {  	s4 =	ssub.s32 $0x0, s20;
	[sflag:s22] =	ssyncset.done $0x0  }
0xa0: {  	[sflag:s22] =	ssyncadd.s32 s4;
	_ =	sdelay $0x1  }
0xa1: {  	s23 =	simm.s32 $0x1B8B  }
0xa2: {  	_ =	swait.ge [sflag:s23], $0x1  }
0xa3: {  	[sflag:s23] =	ssyncset.done $0x0  }
0xa4: {  	s25 =	simm.s32 $0x1B8E;
	s24 =	sld [smem:$0x3FFE];
	[sflag:s23] =	ssyncadd.s32 $0xFFFFFFFF  }
0xa5: {  	s26 =	simm.s32 $execute0_lowered;
	[smem:$0x3FD2] =	sst s25  }
0xa6: {  	s5 =	sshll.u32 s26, $0x1;
	_ =	strace $0x80000046;
	[dreg:$0x1] =	wrdreg $0xFFFFFFFF  }
0xa7: {  	s28 =	simm.s32 $_size_execute0_lowered;
	s3 =	sadd.s32 s3, s5;
	[dreg:$0x0] =	wrdreg $0x0  }
0xa8: {  	s5 =	sshll.u32 s28, $0x1;
	[dreg:$0x2] =	wrdreg s3  }
0xa9: {  	[dreg:$0x3] =	wrdreg s5  }
0xaa: {  	[dreg:$0x4] =	wrdreg $0xC0  }
0xab: {  	_ =	task [dreg:s7], $0x5FFFF  }
0xac: {  	[dreg:$0x1] =	wrdreg $0xFFFFFFFF  }
0xad: {  	[dreg:$0x0] =	wrdreg $0x60  }
0xae: {  	[dreg:$0x2] =	wrdreg s24  }
0xaf: {  	[dreg:$0x3] =	wrdreg s2  }
0xb0: {  	[dreg:$0x4] =	wrdreg $0xA8000  }
0xb1: {  	[dreg:$0x5] =	wrdreg $0x9  }
0xb2: {  	_ =	task.clear_ibuf [dreg:s7], $0x6FFFF;
	_ =	strace $0x90000046  }
0xb3: {  	s29 =	simm.s32 $0x9;
	_ =	strace $0x80000048  }
0xb4: {  	_ =	swait.ge [sflag:s29], $0x1  }
0xb5: {  	[sflag:s29] =	ssyncadd.s32 $0xFFFFFFFF  }
0xb6: {  	_ =	strace $0x90000048  }
0xb7: {  	_ =	sfence  }
0xb8: {  	s30 =	sld [smem:$0x0];
	_ =	sdelay $0x2  }
0xb9: {  	s31 =	sshll.u32 s1, $0xD;
	s1 =	sshrl.u32 s1, $0x2  }
0xba: {  	s3 =	sand.u32 $0x4000, s31;
	s1 =	sadd.s32 s1, s30  }
0xbb: {  	s0 =	sor.u32 s3, s0;
	s1 =	sshll.u32 s1, $0x11  }
0xbc: {  	s0 =	sor.u32 s1, s0  }
0xbd: {  	s0 =	sadd.s32 $0x8F2B, s0  }
0xbe: {  	[sflag:s0] =	ssyncadd.remote.s32 $0x1  }
0xbf: {  	_ =	sfence.sel $0xFFFF  }
0xc0: {  	[dreg:$0x0] =	wrdreg $0xFFFFFFFF;
	(pc) =	sbr.abs _section_cstart, $3  }
0xc1: {  	[dreg:$0x1] =	wrdreg $0xFFFFFFFF  }
0xc2: {  	_ =	task.clear_ibuf [dreg:s7], $0x2FFFF;
	_ =	strace $0x9FFFFFFF  }
0xc3: {  	(tm) =	ssettm $0x7FFFFFFF  }
tec
execute0_lowered:
.L_overlay_start_1:
0x0: {  	(tag) =	ssettag $0x1  }
0x1: {  	s0 =	rddreg [dreg:$0x0]  }
0x2: {  	s1 =	rddreg [dreg:$0x1]  }
0x3: {  	s2 =	rddreg [dreg:$0x2];
	s15 =	stileid.u32  }
0x4: {  	s3 =	simm.s32 $0x0;
	s4 =	srdreg.scid;
	s16 =	simm.s32 $0x40  }
0x5: {  	s17 =	simm.s32 $0x2800;
	s18 =	simm.s32 $0x4800;
	s19 =	simm.s32 $0x80  }
0x6: {  	s20 =	simm.s32 $0x6800;
	s21 =	simm.s32 $0xC0;
	s28 =	simm.s32 $0x4  }
0x7: {  	s29 =	simm.s32 $0x6;
	s30 =	simm.s32 $0x2780;
	s31 =	simm.s32 $0x0  }
0x8: {  	s5 =	smul.u32 $0x14000, s15;
	[smem:$0x7FF] =	sst s3;
	s6 =	sand.u32 $0x1, s4  }
0x9: {  	s4 =	sadd.s32 $0xB400, s0;
	s9 =	sadd.s32 $0x1400, s0;
	s22 =	smul.u32 $0x50000, s15  }
0xa: {  	s23 =	sshll.u32 s15, $0x6;
	_ =	strace $0x80000047;
	s8 =	smul.u32 $0x140000, s6  }
0xb: {  	s10 =	sshll.u32 s6, $0x4;
	s6 =	ssub.s32 $0x2, s6;
	s7 =	sshrl.u32 s5, $0x3  }
0xc: {  	s10 =	sor.u32 s15, s10;
	s11 =	sshrl.u32 s6, $0x1;
	s15 =	simm.s32 $0x1400  }
0xd: {  	s7 =	sadd.s32 s7, s0;
	s5 =	sadd.s32 s5, s8;
	s12 =	smul.u32 $0x2800, s10  }
0xe: {  	s8 =	sshrl.u32 s22, $0x2;
	s13 =	ssub.s32 s6, s11;
	s24 =	smul.u32 $0x500, s10  }
0xf: {  	s6 =	sor.u32 $0x1C07, s23;
	s22 =	simm.s32 $0x8800;
	s23 =	simm.s32 $0x1  }
0x10: {  	s5 =	sshrl.u32 s5, $0x3;
	s14 =	sadd.s32 s8, s2;
	s26 =	sadd.s32 $0x33400, s7  }
0x11: {  	s0 =	sadd.s32 s5, s0;
	s25 =	sshrl.u32 s12, $0x3;
	[dreg:$0x4] =	wrdreg s26  }
0x12: {  	s7 =	sadd.s32 s9, s24;
	s8 =	sadd.s32 s1, s24;
	s12 =	smax.u32 s13, $0x1  }
0x13: {  	s13 =	sshrl.u32 s14, $0x3;
	s14 =	simm.s32 $0x7;
	s24 =	simm.s32 $0x2  }
0x14: {  	s26 =	simm.s32 $0x3;
	s10 =	sadd.s32 $0x280, s25;
	s11 =	sadd.s32 $0x5B400, s0  }
0x15: {  	s25 =	simm.s32 $0x5;
	s9 =	sadd.s32 s9, s10;
	s10 =	sadd.s32 s1, s10  }
.LBB2_1:
0x16: {  	s0 =	rddreg [dreg:$0x4]  }
0x17: {  	[spmem:s13], [sflag:s6] =	dma.local [hbm:s0], $0x2800  }
0x18: {  	_ =	swait.ge [sflag:s14], $0x2800  }
0x19: {  	[sflag:s14] =	ssyncset.done $0x0  }
0x1a: {  	[sflag:s14] =	ssyncadd.s32 $0xFFFFD800  }
0x1b: {  	[tilespmem:s3], [sflag:$0x7] =	stream.linear.gather [hbm4b:s7+s3], $0x1400, $0x38;
	[tilespmem:$0x1E800] =	vst v63  }
0x1c: {  	_ =	swait.ge [sflag:s14], $0x1400  }
0x1d: {  	[sflag:s14] =	ssyncset.done $0x0  }
0x1e: {  	[sflag:s14] =	ssyncadd.s32 $0xFFFFEC00  }
0x1f: {  	[tilespmem:s15], [sflag:$0x7] =	stream.linear.gather [hbm4b:s8+s3], $0x1400, $0x38;
	[tilespmem:$0x1E800] =	vst v63  }
0x20: {  	_ =	swait.ge [sflag:s14], $0x1400  }
0x21: {  	[sflag:s14] =	ssyncset.done $0x0  }
0x22: {  	[sflag:s14] =	ssyncadd.s32 $0xFFFFEC00  }
0x23: {  	[bflag:$0x0] =	sbarrier.arrive $0xFFFF  }
0x24: {  	[tilespmem:s17], [sflag:$0x1] =	stream.indirect.gather [hbm4b:s4+s16], $0x80, s3, s16, $0xb8;
	[tilespmem:$0x1E800] =	vst v63  }
0x25: {  	_ = 	snop  }
0x26: {  	[tilespmem:s18], [sflag:$0x2] =	stream.indirect.gather [hbm4b:s4+s16], $0x80, s16, s16, $0xb8;
	[tilespmem:$0x1E800] =	vst v63  }
0x27: {  	_ = 	snop  }
0x28: {  	[tilespmem:s20], [sflag:$0x3] =	stream.indirect.gather [hbm4b:s4+s16], $0x80, s19, s16, $0xb8;
	[tilespmem:$0x1E800] =	vst v63  }
0x29: {  	_ = 	snop  }
0x2a: {  	[tilespmem:s22], [sflag:$0x4] =	stream.indirect.gather [hbm4b:s4+s16], $0x80, s21, s16, $0xb8;
	[tilespmem:$0x1E800] =	vst v63  }
0x2b: {  	_ =	swait.ge [sflag:s23], $0x2000  }
0x2c: {  	[sflag:s23] =	ssyncset.done $0x0  }
0x2d: {  	[sflag:s23] =	ssyncadd.s32 $0xFFFFE000  }
0x2e: {  	_ =	swait.ge [sflag:s24], $0x2000  }
0x2f: {  	[sflag:s24] =	ssyncset.done $0x0  }
0x30: {  	[sflag:s24] =	ssyncadd.s32 $0xFFFFE000  }
0x31: {  	[spmem:s2] =	stream.indirect.scatter.add.f32 [tilespmem:s17], [sflag:$0x5], $0x80, s15, s19, $0xb8;
	[tilespmem:$0x1E800] =	vst v63  }
0x32: {  	_ =	swait.ge [sflag:s25], $0x4000  }
0x33: {  	[sflag:s25] =	ssyncset.done $0x0  }
0x34: {  	s5 =	simm.s32 $0x100;
	[sflag:s25] =	ssyncadd.s32 $0xFFFFC000  }
0x35: {  	[tilespmem:s17], [sflag:$0x1] =	stream.indirect.gather [hbm4b:s4+s16], $0x80, s5, s16, $0xb8;
	[tilespmem:$0x1E800] =	vst v63  }
0x36: {  	s1 =	simm.s32 $0x140  }
0x37: {  	[tilespmem:s18], [sflag:$0x2] =	stream.indirect.gather [hbm4b:s4+s16], $0x80, s1, s16, $0xb8;
	[tilespmem:$0x1E800] =	vst v63  }
0x38: {  	_ =	swait.ge [sflag:s26], $0x2000  }
0x39: {  	[sflag:s26] =	ssyncset.done $0x0  }
0x3a: {  	[sflag:s26] =	ssyncadd.s32 $0xFFFFE000  }
0x3b: {  	_ =	swait.ge [sflag:s28], $0x2000  }
0x3c: {  	[sflag:s28] =	ssyncset.done $0x0  }
0x3d: {  	s5 =	simm.s32 $0x1480;
	[sflag:s28] =	ssyncadd.s32 $0xFFFFE000  }
0x3e: {  	[spmem:s2] =	stream.indirect.scatter.add.f32 [tilespmem:s20], [sflag:$0x6], $0x80, s5, s19, $0xb8;
	[tilespmem:$0x1E800] =	vst v63  }
0x3f: {  	_ =	swait.ge [sflag:s29], $0x4000  }
0x40: {  	[sflag:s29] =	ssyncset.done $0x0  }
0x41: {  	s1 =	simm.s32 $0x180;
	[sflag:s29] =	ssyncadd.s32 $0xFFFFC000  }
0x42: {  	[tilespmem:s20], [sflag:$0x3] =	stream.indirect.gather [hbm4b:s4+s16], $0x80, s1, s16, $0xb8;
	[tilespmem:$0x1E800] =	vst v63  }
0x43: {  	s5 =	simm.s32 $0x1C0  }
0x44: {  	[tilespmem:s22], [sflag:$0x4] =	stream.indirect.gather [hbm4b:s4+s16], $0x80, s5, s16, $0xb8;
	[tilespmem:$0x1E800] =	vst v63  }
0x45: {  	_ =	swait.ge [sflag:s23], $0x2000  }
0x46: {  	[sflag:s23] =	ssyncset.done $0x0  }
0x47: {  	[sflag:s23] =	ssyncadd.s32 $0xFFFFE000  }
0x48: {  	_ =	swait.ge [sflag:s24], $0x2000  }
0x49: {  	[sflag:s24] =	ssyncset.done $0x0  }
0x4a: {  	s0 =	simm.s32 $0x400;
	s1 =	simm.s32 $0x1500;
	[sflag:s24] =	ssyncadd.s32 $0xFFFFE000  }
.LBB2_2:
0x4b: {  	[spmem:s2] =	stream.indirect.scatter.add.f32 [tilespmem:s17], [sflag:$0x5], $0x80, s1, s19, $0xb8;
	[tilespmem:$0x1E800] =	vst v63  }
0x4c: {  	s1 =	smov.u32 s0  }
0x4d: {  	p0 =	sne.s32 s0, $0x4800;
	s0 =	sadd.s32 $0x400, s0;
	_ =	swait.ge [sflag:s25], $0x4000  }
0x4e: {  	s1 =	sshra.s32 s1, $0x2;
	[sflag:s25] =	ssyncset.done $0x0  }
0x4f: {  	s5 =	sadd.s32 $0x100, s1;
	[sflag:s25] =	ssyncadd.s32 $0xFFFFC000  }
0x50: {  	[tilespmem:s17], [sflag:$0x1] =	stream.indirect.gather [hbm4b:s4+s16], $0x80, s5, s16, $0xb8;
	[tilespmem:$0x1E800] =	vst v63  }
0x51: {  	s5 =	sadd.s32 $0x140, s1  }
0x52: {  	[tilespmem:s18], [sflag:$0x2] =	stream.indirect.gather [hbm4b:s4+s16], $0x80, s5, s16, $0xb8;
	[tilespmem:$0x1E800] =	vst v63  }
0x53: {  	_ =	swait.ge [sflag:s26], $0x2000  }
0x54: {  	[sflag:s26] =	ssyncset.done $0x0  }
0x55: {  	[sflag:s26] =	ssyncadd.s32 $0xFFFFE000  }
0x56: {  	_ =	swait.ge [sflag:s28], $0x2000  }
0x57: {  	[sflag:s28] =	ssyncset.done $0x0  }
0x58: {  	s5 =	sadd.s32 $0x1480, s1;
	[sflag:s28] =	ssyncadd.s32 $0xFFFFE000  }
0x59: {  	[spmem:s2] =	stream.indirect.scatter.add.f32 [tilespmem:s20], [sflag:$0x6], $0x80, s5, s19, $0xb8;
	[tilespmem:$0x1E800] =	vst v63  }
0x5a: {  	_ =	swait.ge [sflag:s29], $0x4000  }
0x5b: {  	[sflag:s29] =	ssyncset.done $0x0  }
0x5c: {  	s5 =	sadd.s32 $0x180, s1;
	[sflag:s29] =	ssyncadd.s32 $0xFFFFC000  }
0x5d: {  	[tilespmem:s20], [sflag:$0x3] =	stream.indirect.gather [hbm4b:s4+s16], $0x80, s5, s16, $0xb8;
	[tilespmem:$0x1E800] =	vst v63  }
0x5e: {  	s5 =	sadd.s32 $0x1C0, s1  }
0x5f: {  	[tilespmem:s22], [sflag:$0x4] =	stream.indirect.gather [hbm4b:s4+s16], $0x80, s5, s16, $0xb8;
	[tilespmem:$0x1E800] =	vst v63  }
0x60: {  	_ =	swait.ge [sflag:s23], $0x2000  }
.Ltmp0:
0x61: {  	[sflag:s23] =	ssyncset.done $0x0;
	(pc) =	sbr.rel @p0 .LBB2_2-.Ltmp0, $4  }
0x62: {  	[sflag:s23] =	ssyncadd.s32 $0xFFFFE000  }
0x63: {  	_ =	swait.ge [sflag:s24], $0x2000  }
0x64: {  	[sflag:s24] =	ssyncset.done $0x0  }
0x65: {  	s1 =	sadd.s32 $0x1500, s1;
	[sflag:s24] =	ssyncadd.s32 $0xFFFFE000  }
0x66: {  	[spmem:s2] =	stream.indirect.scatter.add.f32 [tilespmem:s17], [sflag:$0x5], $0x80, s1, s19, $0xb8;
	[tilespmem:$0x1E800] =	vst v63  }
0x67: {  	_ =	swait.ge [sflag:s26], $0x2000  }
0x68: {  	[sflag:s26] =	ssyncset.done $0x0  }
0x69: {  	[sflag:s26] =	ssyncadd.s32 $0xFFFFE000  }
0x6a: {  	_ =	swait.ge [sflag:s28], $0x2000  }
0x6b: {  	[sflag:s28] =	ssyncset.done $0x0  }
0x6c: {  	[sflag:s28] =	ssyncadd.s32 $0xFFFFE000  }
0x6d: {  	[spmem:s2] =	stream.indirect.scatter.add.f32 [tilespmem:s20], [sflag:$0x6], $0x80, s30, s19, $0xb8;
	[tilespmem:$0x1E800] =	vst v63  }
0x6e: {  	_ =	swait.ge [sflag:s25], $0x4000  }
0x6f: {  	[sflag:s25] =	ssyncset.done $0x0  }
0x70: {  	[sflag:s25] =	ssyncadd.s32 $0xFFFFC000  }
0x71: {  	_ =	swait.ge [sflag:s29], $0x4000  }
0x72: {  	[sflag:s29] =	ssyncset.done $0x0  }
0x73: {  	s0 =	simm.s32 $0x0;
	[sflag:s29] =	ssyncadd.s32 $0xFFFFC000  }
0x74: {  	[tilespmem:s0], [sflag:$0x7] =	stream.linear.gather [hbm4b:s9+s0], $0x1400, $0x38;
	[tilespmem:$0x1E800] =	vst v63  }
0x75: {  	_ =	swait.ge [sflag:s14], $0x1400  }
0x76: {  	[sflag:s14] =	ssyncset.done $0x0  }
0x77: {  	[sflag:s14] =	ssyncadd.s32 $0xFFFFEC00  }
0x78: {  	[tilespmem:s15], [sflag:$0x7] =	stream.linear.gather [hbm4b:s10+s0], $0x1400, $0x38;
	[tilespmem:$0x1E800] =	vst v63  }
0x79: {  	_ =	swait.ge [sflag:s14], $0x1400  }
0x7a: {  	[sflag:s14] =	ssyncset.done $0x0  }
0x7b: {  	[sflag:s14] =	ssyncadd.s32 $0xFFFFEC00  }
0x7c: {  	[tilespmem:s17], [sflag:$0x1] =	stream.indirect.gather [hbm4b:s4+s16], $0x80, s0, s16, $0xb8;
	[tilespmem:$0x1E800] =	vst v63  }
0x7d: {  	_ = 	snop  }
0x7e: {  	[tilespmem:s18], [sflag:$0x2] =	stream.indirect.gather [hbm4b:s4+s16], $0x80, s16, s16, $0xb8;
	[tilespmem:$0x1E800] =	vst v63  }
0x7f: {  	_ = 	snop  }
0x80: {  	[tilespmem:s20], [sflag:$0x3] =	stream.indirect.gather [hbm4b:s4+s16], $0x80, s19, s16, $0xb8;
	[tilespmem:$0x1E800] =	vst v63  }
0x81: {  	_ = 	snop  }
0x82: {  	[tilespmem:s22], [sflag:$0x4] =	stream.indirect.gather [hbm4b:s4+s16], $0x80, s21, s16, $0xb8;
	[tilespmem:$0x1E800] =	vst v63  }
0x83: {  	_ =	swait.ge [sflag:s23], $0x2000  }
0x84: {  	[sflag:s23] =	ssyncset.done $0x0  }
0x85: {  	[sflag:s23] =	ssyncadd.s32 $0xFFFFE000  }
0x86: {  	_ =	swait.ge [sflag:s24], $0x2000  }
0x87: {  	[sflag:s24] =	ssyncset.done $0x0  }
0x88: {  	[sflag:s24] =	ssyncadd.s32 $0xFFFFE000  }
0x89: {  	[spmem:s2] =	stream.indirect.scatter.add.f32 [tilespmem:s17], [sflag:$0x5], $0x80, s15, s19, $0xb8;
	[tilespmem:$0x1E800] =	vst v63  }
0x8a: {  	_ =	swait.ge [sflag:s25], $0x4000  }
0x8b: {  	[sflag:s25] =	ssyncset.done $0x0  }
0x8c: {  	s5 =	simm.s32 $0x100;
	[sflag:s25] =	ssyncadd.s32 $0xFFFFC000  }
0x8d: {  	[tilespmem:s17], [sflag:$0x1] =	stream.indirect.gather [hbm4b:s4+s16], $0x80, s5, s16, $0xb8;
	[tilespmem:$0x1E800] =	vst v63  }
0x8e: {  	s1 =	simm.s32 $0x140  }
0x8f: {  	[tilespmem:s18], [sflag:$0x2] =	stream.indirect.gather [hbm4b:s4+s16], $0x80, s1, s16, $0xb8;
	[tilespmem:$0x1E800] =	vst v63  }
0x90: {  	_ =	swait.ge [sflag:s26], $0x2000  }
0x91: {  	[sflag:s26] =	ssyncset.done $0x0  }
0x92: {  	[sflag:s26] =	ssyncadd.s32 $0xFFFFE000  }
0x93: {  	_ =	swait.ge [sflag:s28], $0x2000  }
0x94: {  	[sflag:s28] =	ssyncset.done $0x0  }
0x95: {  	s5 =	simm.s32 $0x1480;
	[sflag:s28] =	ssyncadd.s32 $0xFFFFE000  }
0x96: {  	[spmem:s2] =	stream.indirect.scatter.add.f32 [tilespmem:s20], [sflag:$0x6], $0x80, s5, s19, $0xb8;
	[tilespmem:$0x1E800] =	vst v63  }
0x97: {  	_ =	swait.ge [sflag:s29], $0x4000  }
0x98: {  	[sflag:s29] =	ssyncset.done $0x0  }
0x99: {  	s1 =	simm.s32 $0x180;
	[sflag:s29] =	ssyncadd.s32 $0xFFFFC000  }
0x9a: {  	[tilespmem:s20], [sflag:$0x3] =	stream.indirect.gather [hbm4b:s4+s16], $0x80, s1, s16, $0xb8;
	[tilespmem:$0x1E800] =	vst v63  }
0x9b: {  	s5 =	simm.s32 $0x1C0  }
0x9c: {  	[tilespmem:s22], [sflag:$0x4] =	stream.indirect.gather [hbm4b:s4+s16], $0x80, s5, s16, $0xb8;
	[tilespmem:$0x1E800] =	vst v63  }
0x9d: {  	_ =	swait.ge [sflag:s23], $0x2000  }
0x9e: {  	[sflag:s23] =	ssyncset.done $0x0  }
0x9f: {  	[sflag:s23] =	ssyncadd.s32 $0xFFFFE000  }
0xa0: {  	_ =	swait.ge [sflag:s24], $0x2000  }
0xa1: {  	[sflag:s24] =	ssyncset.done $0x0  }
0xa2: {  	s0 =	simm.s32 $0x400;
	s1 =	simm.s32 $0x1500;
	[sflag:s24] =	ssyncadd.s32 $0xFFFFE000  }
.LBB2_4:
0xa3: {  	[spmem:s2] =	stream.indirect.scatter.add.f32 [tilespmem:s17], [sflag:$0x5], $0x80, s1, s19, $0xb8;
	[tilespmem:$0x1E800] =	vst v63  }
0xa4: {  	s1 =	smov.u32 s0  }
0xa5: {  	p0 =	sne.s32 s0, $0x4800;
	s0 =	sadd.s32 $0x400, s0;
	_ =	swait.ge [sflag:s25], $0x4000  }
0xa6: {  	s1 =	sshra.s32 s1, $0x2;
	[sflag:s25] =	ssyncset.done $0x0  }
0xa7: {  	s5 =	sadd.s32 $0x100, s1;
	[sflag:s25] =	ssyncadd.s32 $0xFFFFC000  }
0xa8: {  	[tilespmem:s17], [sflag:$0x1] =	stream.indirect.gather [hbm4b:s4+s16], $0x80, s5, s16, $0xb8;
	[tilespmem:$0x1E800] =	vst v63  }
0xa9: {  	s5 =	sadd.s32 $0x140, s1  }
0xaa: {  	[tilespmem:s18], [sflag:$0x2] =	stream.indirect.gather [hbm4b:s4+s16], $0x80, s5, s16, $0xb8;
	[tilespmem:$0x1E800] =	vst v63  }
0xab: {  	_ =	swait.ge [sflag:s26], $0x2000  }
0xac: {  	[sflag:s26] =	ssyncset.done $0x0  }
0xad: {  	[sflag:s26] =	ssyncadd.s32 $0xFFFFE000  }
0xae: {  	_ =	swait.ge [sflag:s28], $0x2000  }
0xaf: {  	[sflag:s28] =	ssyncset.done $0x0  }
0xb0: {  	s5 =	sadd.s32 $0x1480, s1;
	[sflag:s28] =	ssyncadd.s32 $0xFFFFE000  }
0xb1: {  	[spmem:s2] =	stream.indirect.scatter.add.f32 [tilespmem:s20], [sflag:$0x6], $0x80, s5, s19, $0xb8;
	[tilespmem:$0x1E800] =	vst v63  }
0xb2: {  	_ =	swait.ge [sflag:s29], $0x4000  }
0xb3: {  	[sflag:s29] =	ssyncset.done $0x0  }
0xb4: {  	s5 =	sadd.s32 $0x180, s1;
	[sflag:s29] =	ssyncadd.s32 $0xFFFFC000  }
0xb5: {  	[tilespmem:s20], [sflag:$0x3] =	stream.indirect.gather [hbm4b:s4+s16], $0x80, s5, s16, $0xb8;
	[tilespmem:$0x1E800] =	vst v63  }
0xb6: {  	s5 =	sadd.s32 $0x1C0, s1  }
0xb7: {  	[tilespmem:s22], [sflag:$0x4] =	stream.indirect.gather [hbm4b:s4+s16], $0x80, s5, s16, $0xb8;
	[tilespmem:$0x1E800] =	vst v63  }
0xb8: {  	_ =	swait.ge [sflag:s23], $0x2000  }
.Ltmp1:
0xb9: {  	[sflag:s23] =	ssyncset.done $0x0;
	(pc) =	sbr.rel @p0 .LBB2_4-.Ltmp1, $4  }
0xba: {  	[sflag:s23] =	ssyncadd.s32 $0xFFFFE000  }
0xbb: {  	_ =	swait.ge [sflag:s24], $0x2000  }
0xbc: {  	[sflag:s24] =	ssyncset.done $0x0  }
0xbd: {  	s1 =	sadd.s32 $0x1500, s1;
	[sflag:s24] =	ssyncadd.s32 $0xFFFFE000  }
0xbe: {  	[spmem:s2] =	stream.indirect.scatter.add.f32 [tilespmem:s17], [sflag:$0x5], $0x80, s1, s19, $0xb8;
	[tilespmem:$0x1E800] =	vst v63  }
0xbf: {  	_ =	swait.ge [sflag:s26], $0x2000  }
0xc0: {  	[sflag:s26] =	ssyncset.done $0x0  }
0xc1: {  	[sflag:s26] =	ssyncadd.s32 $0xFFFFE000  }
0xc2: {  	_ =	swait.ge [sflag:s28], $0x2000  }
0xc3: {  	[sflag:s28] =	ssyncset.done $0x0  }
0xc4: {  	[sflag:s28] =	ssyncadd.s32 $0xFFFFE000  }
0xc5: {  	[spmem:s2] =	stream.indirect.scatter.add.f32 [tilespmem:s20], [sflag:$0x6], $0x80, s30, s19, $0xb8;
	[tilespmem:$0x1E800] =	vst v63  }
0xc6: {  	_ =	swait.ge [sflag:s25], $0x4000  }
0xc7: {  	[sflag:s25] =	ssyncset.done $0x0  }
0xc8: {  	[sflag:s25] =	ssyncadd.s32 $0xFFFFC000  }
0xc9: {  	_ =	swait.ge [sflag:s29], $0x4000  }
0xca: {  	s31 =	sadd.s32 $0x1, s31;
	[sflag:s29] =	ssyncset.done $0x0  }
0xcb: {  	p0 =	sne.s32 s31, s12;
	[sflag:s29] =	ssyncadd.s32 $0xFFFFC000  }
.Ltmp2:
0xcc: {  	[bflag:$0x0] =	sbarrier.arrive $0xFFFF;
	(pc) =	sbr.rel @p0 .LBB2_1-.Ltmp2, $4  }
0xcd: {  	[hbm:s11], [sflag:s6] =	dma.local [spmem:s13], $0x2800  }
0xce: {  	_ =	swait.ge [sflag:s14], $0x2800  }
0xcf: {  	[sflag:s14] =	ssyncset.done $0x0  }
0xd0: {  	[sflag:s14] =	ssyncadd.s32 $0xFFFFD800  }
0xd1: {  	_ =	sfence.sel $0x180000  }
0xd2: {  	[bflag:$0x0] =	sbarrier.arrive $0xFFFF  }
0xd3: {  	_ =	strace $0x90000047  }
0xd4: {  	s0 =	stileid.u32;
	[bflag:$0x2] =	sbarrier.arrive $0xFFFF  }
0xd5: {  	p0 =	sne.s32 s0, $0x0;
	s0 =	rddreg [dreg:$0x3]  }
0xd6: {  	s0 =	sadd.s32 @!p0 $0x100000, s0  }
0xd7: {  	[sflag:s0] =	ssyncadd.tile.s32 @!p0 $0x1;
	_ =	shalt  }
.Lfunc_end2:
_tile_overlayer_lowered:
.L_overlay_start_2:
0xd8: {  	(tag) =	ssettag $0x2  }
0xd9: {  	s0 =	rddreg [dreg:$0x0];
	s2 =	stileid.u32  }
0xda: {  	s1 =	rddreg [dreg:$0x1];
	p0 =	sne.s32 s2, $0x0  }
0xdb: {  	s3 =	rddreg [dreg:$0x2];
	[bflag:$0x3] =	sbarrier.arrive $0xFFFF;
	s2 =	simm.s32 @!p0 $0x1C07  }
0xdc: {  	[timem:s3], [sflag:s2] =	dma.local @!p0 [hbm:s0], s1  }
0xdd: {  	s0 =	simm.s32 @!p0 $0x7  }
0xde: {  	_ =	swait.ge @!p0 [sflag:s0], s1  }
0xdf: {  	s1 =	ssub.s32 @!p0 $0x0, s1;
	[sflag:s0] =	ssyncset.done @!p0 $0x0  }
0xe0: {  	[sflag:s0] =	ssyncadd.s32 @!p0 s1  }
0xe1: {  	[bflag:$0x3] =	sbarrier.arrive $0xFFFF  }
0xe2: {  	_ =	shalt  }

</sc_bundles>
